<compile_context>
chip_gen: v7x
topology: tpu7x:2x2x1
jax: 0.10.2.dev20260603
libtpu: 0.0.44.dev20260713+nightly
codegen_flags: <defaults>
</compile_context>

<pallas_src>
import functools

import jax
import jax.numpy as jnp
from jax import lax
from jax.experimental import pallas as pl
from jax.experimental.pallas import tpu as pltpu
from jax.experimental.pallas import tpu_sc as plsc

_NC, _NS, _L = 2, 16, 16
_NW = _NC * _NS

_B, _T, _H, _W = 16, 128, 64, 64
_DIM_S = 256
_PIX = 128
_HH = _H * _W // _PIX
_GROUPS = _B * _HH
_GPW = _GROUPS // _NW
_NSUB = _PIX // _L


@functools.partial(
    pl.kernel,
    out_type=jax.ShapeDtypeStruct((_B, _DIM_S, _HH, _PIX), jnp.int32),
    mesh=plsc.VectorSubcoreMesh(core_axis_name="c", subcore_axis_name="s"),
    scratch_types=[
        pltpu.VMEM((2, _T, _PIX), jnp.int32),
        pltpu.VMEM((2, _DIM_S, _PIX), jnp.int32),
        pltpu.SemaphoreType.DMA,
        pltpu.SemaphoreType.DMA,
        pltpu.SemaphoreType.DMA,
        pltpu.SemaphoreType.DMA,
    ],
    compiler_params=pltpu.CompilerParams(
        needs_layout_passes=False, use_tc_tiling_on_sc=False),
)
def _spike_hist(in_hbm, out_hbm, inbuf, hist, si0, si1, so0, so1):
    wid = lax.axis_index("s") * _NC + lax.axis_index("c")
    lanes = lax.iota(jnp.int32, _L)
    ones = jnp.ones((_L,), jnp.int32)
    zeros = jnp.zeros((_L,), jnp.int32)
    sin = (si0, si1)
    sout = (so0, so1)

    def bh(g):
        gid = g * _NW + wid
        return gid // _HH, gid % _HH

    def start_in(g, slot, sem):
        b, hh = bh(g)
        return pltpu.async_copy(in_hbm.at[b, :, hh, :], inbuf.at[slot], sem)

    def start_out(g, slot, sem):
        b, hh = bh(g)
        return pltpu.async_copy(hist.at[slot], out_hbm.at[b, :, hh, :], sem)

    start_in(0, 0, sin[0])
    start_in(1, 1, sin[1])

    def pair_body(g2, carry):
        for slot in range(2):
            g = g2 * 2 + slot
            b, hh = bh(g)

            @pl.when(g2 > 0)
            def _drain():
                pltpu.make_async_copy(
                    hist.at[slot], out_hbm.at[b, :, hh, :], sout[slot]).wait()

            @plsc.parallel_loop(0, _DIM_S, unroll=4)
            def _zero(i):
                for k in range(_NSUB):
                    hist[slot, i, pl.ds(k * _L, _L)] = zeros

            pltpu.make_async_copy(
                in_hbm.at[b, :, hh, :], inbuf.at[slot], sin[slot]).wait()

            hs = hist.at[slot]

            @plsc.parallel_loop(0, _T, unroll=8)
            def _t_body(t):
                for k in range(_NSUB):
                    vals = inbuf[slot, t, pl.ds(k * _L, _L)]
                    plsc.addupdate_scatter(hs, [vals, lanes + k * _L], ones)

            @pl.when(g + 2 < _GPW)
            def _prefetch():
                start_in(g + 2, slot, sin[slot])

            start_out(g, slot, sout[slot])
        return carry

    lax.fori_loop(0, _GPW // 2, pair_body, 0)

    for slot in range(2):
        g = _GPW - 2 + slot
        b, hh = bh(g)
        pltpu.make_async_copy(
            hist.at[slot], out_hbm.at[b, :, hh, :], sout[slot]).wait()


def kernel(input, dim_s):
    del dim_s
    out = _spike_hist(input.reshape(_B, _T, _HH, _PIX))
    return out.reshape(_B, _DIM_S, _H, _W)

# --- scband reference (transcript-rebuilt; emitter-appended) ---
"""Pipeline reference for scband-spike-count-layer-83150566851382 (READ-ONLY COPY).

The authoritative reference and input builder live on the scoring server;
editing this copy changes nothing except your own understanding.
"""

import jax, jax.numpy as jnp
import numpy as np


def setup_inputs(seed: int = 0) -> dict:
    key = jax.random.key(seed)
    B, T, H, W = 16, 128, 64, 64
    dim_s = 256
    inp = jax.random.randint(key, (B, T, H, W), 0, dim_s, dtype=jnp.int32)
    return {"input": inp, "dim_s": dim_s}


def reference(input, dim_s):
    # Faithful translation of CountSpikesCPU: for each (b, h, w), count how many
    # time steps t have spike-id input[b, t, h, w] == s, for s in [0, dim_s).
    # Values outside [0, dim_s) are ignored (mode='drop'), matching the C++
    # kernel which only increments bins for valid spike ids.
    B, T, H, W = input.shape
    DIM_S = 256
    bb = jnp.arange(B, dtype=jnp.int32)[:, None, None, None]
    hh = jnp.arange(H, dtype=jnp.int32)[None, None, :, None]
    ww = jnp.arange(W, dtype=jnp.int32)[None, None, None, :]
    zero = (jnp.asarray(dim_s, dtype=jnp.int32) - jnp.asarray(dim_s, dtype=jnp.int32))
    hist = jnp.zeros((B, DIM_S, H, W), dtype=jnp.int32)
    hist = hist.at[bb, input.astype(jnp.int32) + zero, hh, ww].add(1, mode='drop')
    return hist

if __name__ == "__main__":
    import jax
    _d = setup_inputs()
    print(jax.jit(kernel)(*tuple(_d.values())))

</pallas_src>

<mosaic_0001>
#map = affine_map<(d0, d1) -> (0, 0, 0, 0)>
module attributes {stable_mosaic.version = 14 : i64} {
  func.func @_spike_hist(%arg0: i32, %arg1: i32, %arg2: memref<16x128x32x128xi32, #tpu.memory_space<hbm>>, %arg3: memref<16x256x32x128xi32, #tpu.memory_space<hbm>>, %arg4: memref<2x128x128xi32, #tpu.memory_space<vmem>>, %arg5: memref<2x256x128xi32, #tpu.memory_space<vmem>>, %arg6: memref<!tpu.dma_semaphore, #tpu.memory_space<semaphore_mem>>, %arg7: memref<!tpu.dma_semaphore, #tpu.memory_space<semaphore_mem>>, %arg8: memref<!tpu.dma_semaphore, #tpu.memory_space<semaphore_mem>>, %arg9: memref<!tpu.dma_semaphore, #tpu.memory_space<semaphore_mem>>) attributes {dimension_semantics = [#tpu.dimension_semantics<core_parallel>, #tpu.dimension_semantics<subcore_parallel>], iteration_bounds = array<i64: 2, 16>, scalar_prefetch = 0 : i64, scratch_operands = 6 : i64, tpu.core_type = #tpu.core_type<sc_vector_subcore>, window_params = [{transform_indices = #map}, {transform_indices = #map}]} {
    %mul3A = arith.constant 2 : i32
    %mul3A_0 = arith.muli %arg1, %mul3A : i32
    %add3A = arith.addi %mul3A_0, %arg0 : i32
    %iota3A = tpu.iota {dimensions = array<i32: 0>} : vector<16xi32>
    %broadcast_in_dim3A = arith.constant 1 : i32
    %broadcast_in_dim3A_1 = vector.broadcast %broadcast_in_dim3A : i32 to vector<16xi32>
    %broadcast_in_dim3A_2 = arith.constant 0 : i32
    %broadcast_in_dim3A_3 = vector.broadcast %broadcast_in_dim3A_2 : i32 to vector<16xi32>
    %add3A_4 = arith.constant 0 : i32
    %add3A_5 = arith.addi %add3A_4, %add3A : i32
    %jit3A = arith.constant 32 : i32
    %div3A = arith.divsi %add3A_5, %jit3A : i32
    %sign3A = arith.constant 0 : i32
    %sign3A_6 = arith.cmpi sgt, %add3A_5, %sign3A : i32
    %sign3A_7 = arith.extui %sign3A_6 : i1 to i32
    %sign3A_8 = arith.constant 0 : i32
    %sign3A_9 = arith.cmpi slt, %add3A_5, %sign3A_8 : i32
    %sign3A_10 = arith.extui %sign3A_9 : i1 to i32
    %sign3A_11 = arith.subi %sign3A_7, %sign3A_10 : i32
    %sign3A_12 = arith.constant 0 : i32
    %sign3A_13 = arith.cmpi sgt, %jit3A, %sign3A_12 : i32
    %sign3A_14 = arith.extui %sign3A_13 : i1 to i32
    %sign3A_15 = arith.constant 0 : i32
    %sign3A_16 = arith.cmpi slt, %jit3A, %sign3A_15 : i32
    %sign3A_17 = arith.extui %sign3A_16 : i1 to i32
    %sign3A_18 = arith.subi %sign3A_14, %sign3A_17 : i32
    %ne3A = arith.cmpi ne, %sign3A_11, %sign3A_18 : i32
    %rem3A = arith.remsi %add3A_5, %jit3A : i32
    %ne3A_19 = arith.constant 0 : i32
    %ne3A_20 = arith.cmpi ne, %rem3A, %ne3A_19 : i32
    %and3A = arith.andi %ne3A, %ne3A_20 : i1
    %sub3A = arith.constant 1 : i32
    %sub3A_21 = arith.subi %div3A, %sub3A : i32
    %select_n3A = arith.select %and3A, %sub3A_21, %div3A : i32
    %jit3A_22 = arith.constant 32 : i32
    %eq3A = arith.constant 0 : i32
    %eq3A_23 = arith.cmpi eq, %jit3A_22, %eq3A : i32
    %jit3A_24 = arith.constant 1 : i32
    %select_n3A_25 = arith.select %eq3A_23, %jit3A_24, %jit3A_22 : i32
    %rem3A_26 = arith.remsi %add3A_5, %select_n3A_25 : i32
    %ne3A_27 = arith.constant 0 : i32
    %ne3A_28 = arith.cmpi ne, %rem3A_26, %ne3A_27 : i32
    %lt3A = arith.constant 0 : i32
    %lt3A_29 = arith.cmpi slt, %rem3A_26, %lt3A : i32
    %lt3A_30 = arith.constant 0 : i32
    %lt3A_31 = arith.cmpi slt, %select_n3A_25, %lt3A_30 : i32
    %ne3A_32 = arith.xori %lt3A_29, %lt3A_31 : i1
    %and3A_33 = arith.andi %ne3A_32, %ne3A_28 : i1
    %add3A_34 = arith.addi %rem3A_26, %select_n3A_25 : i32
    %select_n3A_35 = arith.select %and3A_33, %add3A_34, %rem3A_26 : i32
    %dma_start3A = arith.constant 0 : i32
    %dma_start3A_36 = arith.constant 0 : i32
    %dma_start3A_37 = arith.constant 0 : i32
    %dma_start3A_38 = tpu.memref_slice %arg4[%dma_start3A, %dma_start3A_36, %dma_start3A_37] : memref<2x128x128xi32, #tpu.memory_space<vmem>> -> memref<1x128x128xi32, #tpu.memory_space<vmem>>
    %dma_start3A_39 = tpu.memref_squeeze %dma_start3A_38 : memref<1x128x128xi32, #tpu.memory_space<vmem>> -> memref<128x128xi32, #tpu.memory_space<vmem>>
    %dma_start3A_40 = arith.constant 0 : i32
    %dma_start3A_41 = arith.constant 0 : i32
    %dma_start3A_42 = tpu.memref_slice %arg2[%select_n3A, %dma_start3A_40, %select_n3A_35, %dma_start3A_41] : memref<16x128x32x128xi32, #tpu.memory_space<hbm>> -> memref<1x128x1x128xi32, #tpu.memory_space<hbm>>
    %dma_start3A_43 = tpu.memref_squeeze %dma_start3A_42 : memref<1x128x1x128xi32, #tpu.memory_space<hbm>> -> memref<128x128xi32, #tpu.memory_space<hbm>>
    %dma_start3A_44 = arith.constant 0 : i32
    %dma_start3A_45 = arith.constant 0 : i32
    %dma_start3A_46 = tpu.memref_slice %arg4[%dma_start3A, %dma_start3A_44, %dma_start3A_45] : memref<2x128x128xi32, #tpu.memory_space<vmem>> -> memref<1x128x128xi32, #tpu.memory_space<vmem>>
    %dma_start3A_47 = tpu.memref_squeeze %dma_start3A_46 : memref<1x128x128xi32, #tpu.memory_space<vmem>> -> memref<128x128xi32, #tpu.memory_space<vmem>>
    %dma_start3A_48 = arith.constant 0 : i32
    %dma_start3A_49 = arith.constant 0 : i32
    %dma_start3A_50 = tpu.memref_slice %arg2[%select_n3A, %dma_start3A_48, %select_n3A_35, %dma_start3A_49] : memref<16x128x32x128xi32, #tpu.memory_space<hbm>> -> memref<1x128x1x128xi32, #tpu.memory_space<hbm>>
    %dma_start3A_51 = tpu.memref_squeeze %dma_start3A_50 : memref<1x128x1x128xi32, #tpu.memory_space<hbm>> -> memref<128x128xi32, #tpu.memory_space<hbm>>
    tpu.enqueue_dma source(%dma_start3A_51 : memref<128x128xi32, #tpu.memory_space<hbm>>) target(%dma_start3A_47 : memref<128x128xi32, #tpu.memory_space<vmem>>) target_semaphore(%arg6 : memref<!tpu.dma_semaphore, #tpu.memory_space<semaphore_mem>>)
    %add3A_52 = arith.constant 32 : i32
    %add3A_53 = arith.addi %add3A_52, %add3A : i32
    %jit3A_54 = arith.constant 32 : i32
    %div3A_55 = arith.divsi %add3A_53, %jit3A_54 : i32
    %sign3A_56 = arith.constant 0 : i32
    %sign3A_57 = arith.cmpi sgt, %add3A_53, %sign3A_56 : i32
    %sign3A_58 = arith.extui %sign3A_57 : i1 to i32
    %sign3A_59 = arith.constant 0 : i32
    %sign3A_60 = arith.cmpi slt, %add3A_53, %sign3A_59 : i32
    %sign3A_61 = arith.extui %sign3A_60 : i1 to i32
    %sign3A_62 = arith.subi %sign3A_58, %sign3A_61 : i32
    %sign3A_63 = arith.constant 0 : i32
    %sign3A_64 = arith.cmpi sgt, %jit3A_54, %sign3A_63 : i32
    %sign3A_65 = arith.extui %sign3A_64 : i1 to i32
    %sign3A_66 = arith.constant 0 : i32
    %sign3A_67 = arith.cmpi slt, %jit3A_54, %sign3A_66 : i32
    %sign3A_68 = arith.extui %sign3A_67 : i1 to i32
    %sign3A_69 = arith.subi %sign3A_65, %sign3A_68 : i32
    %ne3A_70 = arith.cmpi ne, %sign3A_62, %sign3A_69 : i32
    %rem3A_71 = arith.remsi %add3A_53, %jit3A_54 : i32
    %ne3A_72 = arith.constant 0 : i32
    %ne3A_73 = arith.cmpi ne, %rem3A_71, %ne3A_72 : i32
    %and3A_74 = arith.andi %ne3A_70, %ne3A_73 : i1
    %sub3A_75 = arith.constant 1 : i32
    %sub3A_76 = arith.subi %div3A_55, %sub3A_75 : i32
    %select_n3A_77 = arith.select %and3A_74, %sub3A_76, %div3A_55 : i32
    %jit3A_78 = arith.constant 32 : i32
    %eq3A_79 = arith.constant 0 : i32
    %eq3A_80 = arith.cmpi eq, %jit3A_78, %eq3A_79 : i32
    %jit3A_81 = arith.constant 1 : i32
    %select_n3A_82 = arith.select %eq3A_80, %jit3A_81, %jit3A_78 : i32
    %rem3A_83 = arith.remsi %add3A_53, %select_n3A_82 : i32
    %ne3A_84 = arith.constant 0 : i32
    %ne3A_85 = arith.cmpi ne, %rem3A_83, %ne3A_84 : i32
    %lt3A_86 = arith.constant 0 : i32
    %lt3A_87 = arith.cmpi slt, %rem3A_83, %lt3A_86 : i32
    %lt3A_88 = arith.constant 0 : i32
    %lt3A_89 = arith.cmpi slt, %select_n3A_82, %lt3A_88 : i32
    %ne3A_90 = arith.xori %lt3A_87, %lt3A_89 : i1
    %and3A_91 = arith.andi %ne3A_90, %ne3A_85 : i1
    %add3A_92 = arith.addi %rem3A_83, %select_n3A_82 : i32
    %select_n3A_93 = arith.select %and3A_91, %add3A_92, %rem3A_83 : i32
    %dma_start3A_94 = arith.constant 1 : i32
    %dma_start3A_95 = arith.constant 0 : i32
    %dma_start3A_96 = arith.constant 0 : i32
    %dma_start3A_97 = tpu.memref_slice %arg4[%dma_start3A_94, %dma_start3A_95, %dma_start3A_96] : memref<2x128x128xi32, #tpu.memory_space<vmem>> -> memref<1x128x128xi32, #tpu.memory_space<vmem>>
    %dma_start3A_98 = tpu.memref_squeeze %dma_start3A_97 : memref<1x128x128xi32, #tpu.memory_space<vmem>> -> memref<128x128xi32, #tpu.memory_space<vmem>>
    %dma_start3A_99 = arith.constant 0 : i32
    %dma_start3A_100 = arith.constant 0 : i32
    %dma_start3A_101 = tpu.memref_slice %arg2[%select_n3A_77, %dma_start3A_99, %select_n3A_93, %dma_start3A_100] : memref<16x128x32x128xi32, #tpu.memory_space<hbm>> -> memref<1x128x1x128xi32, #tpu.memory_space<hbm>>
    %dma_start3A_102 = tpu.memref_squeeze %dma_start3A_101 : memref<1x128x1x128xi32, #tpu.memory_space<hbm>> -> memref<128x128xi32, #tpu.memory_space<hbm>>
    %dma_start3A_103 = arith.constant 0 : i32
    %dma_start3A_104 = arith.constant 0 : i32
    %dma_start3A_105 = tpu.memref_slice %arg4[%dma_start3A_94, %dma_start3A_103, %dma_start3A_104] : memref<2x128x128xi32, #tpu.memory_space<vmem>> -> memref<1x128x128xi32, #tpu.memory_space<vmem>>
    %dma_start3A_106 = tpu.memref_squeeze %dma_start3A_105 : memref<1x128x128xi32, #tpu.memory_space<vmem>> -> memref<128x128xi32, #tpu.memory_space<vmem>>
    %dma_start3A_107 = arith.constant 0 : i32
    %dma_start3A_108 = arith.constant 0 : i32
    %dma_start3A_109 = tpu.memref_slice %arg2[%select_n3A_77, %dma_start3A_107, %select_n3A_93, %dma_start3A_108] : memref<16x128x32x128xi32, #tpu.memory_space<hbm>> -> memref<1x128x1x128xi32, #tpu.memory_space<hbm>>
    %dma_start3A_110 = tpu.memref_squeeze %dma_start3A_109 : memref<1x128x1x128xi32, #tpu.memory_space<hbm>> -> memref<128x128xi32, #tpu.memory_space<hbm>>
    tpu.enqueue_dma source(%dma_start3A_110 : memref<128x128xi32, #tpu.memory_space<hbm>>) target(%dma_start3A_106 : memref<128x128xi32, #tpu.memory_space<vmem>>) target_semaphore(%arg7 : memref<!tpu.dma_semaphore, #tpu.memory_space<semaphore_mem>>)
    %scan3A = arith.constant 0 : i32
    %scan3A_111 = arith.constant 0 : i32
    %scan3A_112 = arith.constant 8 : i32
    %scan3A_113 = arith.addi %scan3A_111, %scan3A_112 : i32
    %scan3A_114 = arith.constant 1 : i32
    scf.for %scan3A_233 = %scan3A_111 to %scan3A_113 step %scan3A_114  : i32 {
      %mul3A_234 = arith.constant 2 : i32
      %mul3A_235 = arith.muli %scan3A_233, %mul3A_234 : i32
      %add3A_236 = arith.constant 0 : i32
      %add3A_237 = arith.addi %mul3A_235, %add3A_236 : i32
      %mul3A_238 = arith.constant 32 : i32
      %mul3A_239 = arith.muli %add3A_237, %mul3A_238 : i32
      %add3A_240 = arith.addi %mul3A_239, %add3A : i32
      %jit3A_241 = arith.constant 32 : i32
      %div3A_242 = arith.divsi %add3A_240, %jit3A_241 : i32
      %sign3A_243 = arith.constant 0 : i32
      %sign3A_244 = arith.cmpi sgt, %add3A_240, %sign3A_243 : i32
      %sign3A_245 = arith.extui %sign3A_244 : i1 to i32
      %sign3A_246 = arith.constant 0 : i32
      %sign3A_247 = arith.cmpi slt, %add3A_240, %sign3A_246 : i32
      %sign3A_248 = arith.extui %sign3A_247 : i1 to i32
      %sign3A_249 = arith.subi %sign3A_245, %sign3A_248 : i32
      %sign3A_250 = arith.constant 0 : i32
      %sign3A_251 = arith.cmpi sgt, %jit3A_241, %sign3A_250 : i32
      %sign3A_252 = arith.extui %sign3A_251 : i1 to i32
      %sign3A_253 = arith.constant 0 : i32
      %sign3A_254 = arith.cmpi slt, %jit3A_241, %sign3A_253 : i32
      %sign3A_255 = arith.extui %sign3A_254 : i1 to i32
      %sign3A_256 = arith.subi %sign3A_252, %sign3A_255 : i32
      %ne3A_257 = arith.cmpi ne, %sign3A_249, %sign3A_256 : i32
      %rem3A_258 = arith.remsi %add3A_240, %jit3A_241 : i32
      %ne3A_259 = arith.constant 0 : i32
      %ne3A_260 = arith.cmpi ne, %rem3A_258, %ne3A_259 : i32
      %and3A_261 = arith.andi %ne3A_257, %ne3A_260 : i1
      %sub3A_262 = arith.constant 1 : i32
      %sub3A_263 = arith.subi %div3A_242, %sub3A_262 : i32
      %select_n3A_264 = arith.select %and3A_261, %sub3A_263, %div3A_242 : i32
      %jit3A_265 = arith.constant 32 : i32
      %eq3A_266 = arith.constant 0 : i32
      %eq3A_267 = arith.cmpi eq, %jit3A_265, %eq3A_266 : i32
      %jit3A_268 = arith.constant 1 : i32
      %select_n3A_269 = arith.select %eq3A_267, %jit3A_268, %jit3A_265 : i32
      %rem3A_270 = arith.remsi %add3A_240, %select_n3A_269 : i32
      %ne3A_271 = arith.constant 0 : i32
      %ne3A_272 = arith.cmpi ne, %rem3A_270, %ne3A_271 : i32
      %lt3A_273 = arith.constant 0 : i32
      %lt3A_274 = arith.cmpi slt, %rem3A_270, %lt3A_273 : i32
      %lt3A_275 = arith.constant 0 : i32
      %lt3A_276 = arith.cmpi slt, %select_n3A_269, %lt3A_275 : i32
      %ne3A_277 = arith.xori %lt3A_274, %lt3A_276 : i1
      %and3A_278 = arith.andi %ne3A_277, %ne3A_272 : i1
      %add3A_279 = arith.addi %rem3A_270, %select_n3A_269 : i32
      %select_n3A_280 = arith.select %and3A_278, %add3A_279, %rem3A_270 : i32
      %gt3A = arith.constant 0 : i32
      %gt3A_281 = arith.cmpi sgt, %scan3A_233, %gt3A : i32
      %convert_element_type3A = arith.extui %gt3A_281 : i1 to i32
      %cond3A = arith.constant 0 : i32
      %cond3A_282 = arith.cmpi ne, %convert_element_type3A, %cond3A : i32
      scf.if %cond3A_282 {
        %dma_wait3A_516 = arith.constant 0 : i32
        %dma_wait3A_517 = arith.constant 0 : i32
        %dma_wait3A_518 = arith.constant 0 : i32
        %dma_wait3A_519 = tpu.memref_slice %arg5[%dma_wait3A_516, %dma_wait3A_517, %dma_wait3A_518] : memref<2x256x128xi32, #tpu.memory_space<vmem>> -> memref<1x256x128xi32, #tpu.memory_space<vmem>>
        %dma_wait3A_520 = tpu.memref_squeeze %dma_wait3A_519 : memref<1x256x128xi32, #tpu.memory_space<vmem>> -> memref<256x128xi32, #tpu.memory_space<vmem>>
        %dma_wait3A_521 = arith.constant 0 : i32
        %dma_wait3A_522 = arith.constant 0 : i32
        %dma_wait3A_523 = tpu.memref_slice %arg3[%select_n3A_264, %dma_wait3A_521, %select_n3A_280, %dma_wait3A_522] : memref<16x256x32x128xi32, #tpu.memory_space<hbm>> -> memref<1x256x1x128xi32, #tpu.memory_space<hbm>>
        %dma_wait3A_524 = tpu.memref_squeeze %dma_wait3A_523 : memref<1x256x1x128xi32, #tpu.memory_space<hbm>> -> memref<256x128xi32, #tpu.memory_space<hbm>>
        %dma_wait3A_525 = arith.constant 0 : i32
        %dma_wait3A_526 = arith.constant 0 : i32
        %dma_wait3A_527 = tpu.memref_slice %arg3[%select_n3A_264, %dma_wait3A_525, %select_n3A_280, %dma_wait3A_526] : memref<16x256x32x128xi32, #tpu.memory_space<hbm>> -> memref<1x256x1x128xi32, #tpu.memory_space<hbm>>
        %dma_wait3A_528 = tpu.memref_squeeze %dma_wait3A_527 : memref<1x256x1x128xi32, #tpu.memory_space<hbm>> -> memref<256x128xi32, #tpu.memory_space<hbm>>
        %dma_wait3A_529 = arith.constant 0 : i32
        %dma_wait3A_530 = arith.constant 0 : i32
        %dma_wait3A_531 = tpu.memref_slice %arg5[%dma_wait3A_516, %dma_wait3A_529, %dma_wait3A_530] : memref<2x256x128xi32, #tpu.memory_space<vmem>> -> memref<1x256x128xi32, #tpu.memory_space<vmem>>
        %dma_wait3A_532 = tpu.memref_squeeze %dma_wait3A_531 : memref<1x256x128xi32, #tpu.memory_space<vmem>> -> memref<256x128xi32, #tpu.memory_space<vmem>>
        tpu.wait_dma2 semaphore(%arg8 : memref<!tpu.dma_semaphore, #tpu.memory_space<semaphore_mem>>) src(%dma_wait3A_532 : memref<256x128xi32, #tpu.memory_space<vmem>>) dst(%dma_wait3A_528 : memref<256x128xi32, #tpu.memory_space<hbm>>)
      } else {
      }
      %parallel_loop3A = arith.constant 0 : i32
      %parallel_loop3A_283 = arith.constant 256 : i32
      %parallel_loop3A_284 = arith.constant 1 : i32
      scf.for %parallel_loop3A_516 = %parallel_loop3A to %parallel_loop3A_283 step %parallel_loop3A_284  : i32 {
        %parallel_loop3A_517 = arith.constant 0 : i32
        %parallel_loop3A_518 = arith.index_cast %parallel_loop3A_517 : i32 to index
        %parallel_loop3A_519 = arith.index_cast %parallel_loop3A_516 : i32 to index
        %parallel_loop3A_520 = arith.constant 0 : index
        %parallel_loop3A_521 = tpu.vector_load %arg5[%parallel_loop3A_518, %parallel_loop3A_519, %parallel_loop3A_520] {strides = array<i32>} : memref<2x256x128xi32, #tpu.memory_space<vmem>>, vector<16xi32>,
        tpu.vector_store %arg5[%parallel_loop3A_518, %parallel_loop3A_519, %parallel_loop3A_520], %broadcast_in_dim3A_3 {strides = array<i32>} : memref<2x256x128xi32, #tpu.memory_space<vmem>>, vector<16xi32>,
        %parallel_loop3A_522 = arith.constant 0 : i32
        %parallel_loop3A_523 = arith.index_cast %parallel_loop3A_522 : i32 to index
        %parallel_loop3A_524 = arith.index_cast %parallel_loop3A_516 : i32 to index
        %parallel_loop3A_525 = arith.constant 16 : index
        %parallel_loop3A_526 = tpu.vector_load %arg5[%parallel_loop3A_523, %parallel_loop3A_524, %parallel_loop3A_525] {strides = array<i32>} : memref<2x256x128xi32, #tpu.memory_space<vmem>>, vector<16xi32>,
        tpu.vector_store %arg5[%parallel_loop3A_523, %parallel_loop3A_524, %parallel_loop3A_525], %broadcast_in_dim3A_3 {strides = array<i32>} : memref<2x256x128xi32, #tpu.memory_space<vmem>>, vector<16xi32>,
        %parallel_loop3A_527 = arith.constant 0 : i32
        %parallel_loop3A_528 = arith.index_cast %parallel_loop3A_527 : i32 to index
        %parallel_loop3A_529 = arith.index_cast %parallel_loop3A_516 : i32 to index
        %parallel_loop3A_530 = arith.constant 32 : index
        %parallel_loop3A_531 = tpu.vector_load %arg5[%parallel_loop3A_528, %parallel_loop3A_529, %parallel_loop3A_530] {strides = array<i32>} : memref<2x256x128xi32, #tpu.memory_space<vmem>>, vector<16xi32>,
        tpu.vector_store %arg5[%parallel_loop3A_528, %parallel_loop3A_529, %parallel_loop3A_530], %broadcast_in_dim3A_3 {strides = array<i32>} : memref<2x256x128xi32, #tpu.memory_space<vmem>>, vector<16xi32>,
        %parallel_loop3A_532 = arith.constant 0 : i32
        %parallel_loop3A_533 = arith.index_cast %parallel_loop3A_532 : i32 to index
        %parallel_loop3A_534 = arith.index_cast %parallel_loop3A_516 : i32 to index
        %parallel_loop3A_535 = arith.constant 48 : index
        %parallel_loop3A_536 = tpu.vector_load %arg5[%parallel_loop3A_533, %parallel_loop3A_534, %parallel_loop3A_535] {strides = array<i32>} : memref<2x256x128xi32, #tpu.memory_space<vmem>>, vector<16xi32>,
        tpu.vector_store %arg5[%parallel_loop3A_533, %parallel_loop3A_534, %parallel_loop3A_535], %broadcast_in_dim3A_3 {strides = array<i32>} : memref<2x256x128xi32, #tpu.memory_space<vmem>>, vector<16xi32>,
        %parallel_loop3A_537 = arith.constant 0 : i32
        %parallel_loop3A_538 = arith.index_cast %parallel_loop3A_537 : i32 to index
        %parallel_loop3A_539 = arith.index_cast %parallel_loop3A_516 : i32 to index
        %parallel_loop3A_540 = arith.constant 64 : index
        %parallel_loop3A_541 = tpu.vector_load %arg5[%parallel_loop3A_538, %parallel_loop3A_539, %parallel_loop3A_540] {strides = array<i32>} : memref<2x256x128xi32, #tpu.memory_space<vmem>>, vector<16xi32>,
        tpu.vector_store %arg5[%parallel_loop3A_538, %parallel_loop3A_539, %parallel_loop3A_540], %broadcast_in_dim3A_3 {strides = array<i32>} : memref<2x256x128xi32, #tpu.memory_space<vmem>>, vector<16xi32>,
        %parallel_loop3A_542 = arith.constant 0 : i32
        %parallel_loop3A_543 = arith.index_cast %parallel_loop3A_542 : i32 to index
        %parallel_loop3A_544 = arith.index_cast %parallel_loop3A_516 : i32 to index
        %parallel_loop3A_545 = arith.constant 80 : index
        %parallel_loop3A_546 = tpu.vector_load %arg5[%parallel_loop3A_543, %parallel_loop3A_544, %parallel_loop3A_545] {strides = array<i32>} : memref<2x256x128xi32, #tpu.memory_space<vmem>>, vector<16xi32>,
        tpu.vector_store %arg5[%parallel_loop3A_543, %parallel_loop3A_544, %parallel_loop3A_545], %broadcast_in_dim3A_3 {strides = array<i32>} : memref<2x256x128xi32, #tpu.memory_space<vmem>>, vector<16xi32>,
        %parallel_loop3A_547 = arith.constant 0 : i32
        %parallel_loop3A_548 = arith.index_cast %parallel_loop3A_547 : i32 to index
        %parallel_loop3A_549 = arith.index_cast %parallel_loop3A_516 : i32 to index
        %parallel_loop3A_550 = arith.constant 96 : index
        %parallel_loop3A_551 = tpu.vector_load %arg5[%parallel_loop3A_548, %parallel_loop3A_549, %parallel_loop3A_550] {strides = array<i32>} : memref<2x256x128xi32, #tpu.memory_space<vmem>>, vector<16xi32>,
        tpu.vector_store %arg5[%parallel_loop3A_548, %parallel_loop3A_549, %parallel_loop3A_550], %broadcast_in_dim3A_3 {strides = array<i32>} : memref<2x256x128xi32, #tpu.memory_space<vmem>>, vector<16xi32>,
        %parallel_loop3A_552 = arith.constant 0 : i32
        %parallel_loop3A_553 = arith.index_cast %parallel_loop3A_552 : i32 to index
        %parallel_loop3A_554 = arith.index_cast %parallel_loop3A_516 : i32 to index
        %parallel_loop3A_555 = arith.constant 112 : index
        %parallel_loop3A_556 = tpu.vector_load %arg5[%parallel_loop3A_553, %parallel_loop3A_554, %parallel_loop3A_555] {strides = array<i32>} : memref<2x256x128xi32, #tpu.memory_space<vmem>>, vector<16xi32>,
        tpu.vector_store %arg5[%parallel_loop3A_553, %parallel_loop3A_554, %parallel_loop3A_555], %broadcast_in_dim3A_3 {strides = array<i32>} : memref<2x256x128xi32, #tpu.memory_space<vmem>>, vector<16xi32>,
      } {sc.loop_unroll_factor = 4 : i64, sc.parallel_access}
      %dma_wait3A_285 = arith.constant 0 : i32
      %dma_wait3A_286 = arith.constant 0 : i32
      %dma_wait3A_287 = arith.constant 0 : i32
      %dma_wait3A_288 = tpu.memref_slice %arg4[%dma_wait3A_285, %dma_wait3A_286, %dma_wait3A_287] : memref<2x128x128xi32, #tpu.memory_space<vmem>> -> memref<1x128x128xi32, #tpu.memory_space<vmem>>
      %dma_wait3A_289 = tpu.memref_squeeze %dma_wait3A_288 : memref<1x128x128xi32, #tpu.memory_space<vmem>> -> memref<128x128xi32, #tpu.memory_space<vmem>>
      %dma_wait3A_290 = arith.constant 0 : i32
      %dma_wait3A_291 = arith.constant 0 : i32
      %dma_wait3A_292 = tpu.memref_slice %arg2[%select_n3A_264, %dma_wait3A_290, %select_n3A_280, %dma_wait3A_291] : memref<16x128x32x128xi32, #tpu.memory_space<hbm>> -> memref<1x128x1x128xi32, #tpu.memory_space<hbm>>
      %dma_wait3A_293 = tpu.memref_squeeze %dma_wait3A_292 : memref<1x128x1x128xi32, #tpu.memory_space<hbm>> -> memref<128x128xi32, #tpu.memory_space<hbm>>
      %dma_wait3A_294 = arith.constant 0 : i32
      %dma_wait3A_295 = arith.constant 0 : i32
      %dma_wait3A_296 = tpu.memref_slice %arg4[%dma_wait3A_285, %dma_wait3A_294, %dma_wait3A_295] : memref<2x128x128xi32, #tpu.memory_space<vmem>> -> memref<1x128x128xi32, #tpu.memory_space<vmem>>
      %dma_wait3A_297 = tpu.memref_squeeze %dma_wait3A_296 : memref<1x128x128xi32, #tpu.memory_space<vmem>> -> memref<128x128xi32, #tpu.memory_space<vmem>>
      %dma_wait3A_298 = arith.constant 0 : i32
      %dma_wait3A_299 = arith.constant 0 : i32
      %dma_wait3A_300 = tpu.memref_slice %arg2[%select_n3A_264, %dma_wait3A_298, %select_n3A_280, %dma_wait3A_299] : memref<16x128x32x128xi32, #tpu.memory_space<hbm>> -> memref<1x128x1x128xi32, #tpu.memory_space<hbm>>
      %dma_wait3A_301 = tpu.memref_squeeze %dma_wait3A_300 : memref<1x128x1x128xi32, #tpu.memory_space<hbm>> -> memref<128x128xi32, #tpu.memory_space<hbm>>
      tpu.wait_dma2 semaphore(%arg6 : memref<!tpu.dma_semaphore, #tpu.memory_space<semaphore_mem>>) src(%dma_wait3A_301 : memref<128x128xi32, #tpu.memory_space<hbm>>) dst(%dma_wait3A_297 : memref<128x128xi32, #tpu.memory_space<vmem>>)
      %parallel_loop3A_302 = arith.constant 0 : i32
      %parallel_loop3A_303 = arith.constant 128 : i32
      %parallel_loop3A_304 = arith.constant 1 : i32
      %parallel_loop3A_305 = arith.constant 0 : i32
      scf.for %parallel_loop3A_516 = %parallel_loop3A_302 to %parallel_loop3A_303 step %parallel_loop3A_304  : i32 {
        %parallel_loop3A_517 = arith.constant 0 : i32
        %parallel_loop3A_518 = arith.index_cast %parallel_loop3A_517 : i32 to index
        %parallel_loop3A_519 = arith.index_cast %parallel_loop3A_516 : i32 to index
        %parallel_loop3A_520 = arith.constant 0 : index
        %parallel_loop3A_521 = tpu.vector_load %arg4[%parallel_loop3A_518, %parallel_loop3A_519, %parallel_loop3A_520] {strides = array<i32>} : memref<2x128x128xi32, #tpu.memory_space<vmem>>, vector<16xi32>,
        %parallel_loop3A_522 = arith.constant 0 : i32
        %parallel_loop3A_523 = vector.broadcast %parallel_loop3A_522 : i32 to vector<16xi32>
        %parallel_loop3A_524 = arith.addi %iota3A, %parallel_loop3A_523 : vector<16xi32>
        %parallel_loop3A_525 = arith.constant 0 : i32
        %parallel_loop3A_526 = arith.constant 0 : i32
        %parallel_loop3A_527 = tpu.memref_slice %arg5[%parallel_loop3A_305, %parallel_loop3A_525, %parallel_loop3A_526] : memref<2x256x128xi32, #tpu.memory_space<vmem>> -> memref<1x256x128xi32, #tpu.memory_space<vmem>>
        %parallel_loop3A_528 = tpu.memref_squeeze %parallel_loop3A_527 : memref<1x256x128xi32, #tpu.memory_space<vmem>> -> memref<256x128xi32, #tpu.memory_space<vmem>>
        tpu.vector_store_idx %parallel_loop3A_528[%parallel_loop3A_521, %parallel_loop3A_524], %broadcast_in_dim3A_1 {add = true} : memref<256x128xi32, #tpu.memory_space<vmem>>[vector<16xi32>, vector<16xi32>], vector<16xi32>,
        %parallel_loop3A_529 = arith.constant 0 : i32
        %parallel_loop3A_530 = arith.index_cast %parallel_loop3A_529 : i32 to index
        %parallel_loop3A_531 = arith.index_cast %parallel_loop3A_516 : i32 to index
        %parallel_loop3A_532 = arith.constant 16 : index
        %parallel_loop3A_533 = tpu.vector_load %arg4[%parallel_loop3A_530, %parallel_loop3A_531, %parallel_loop3A_532] {strides = array<i32>} : memref<2x128x128xi32, #tpu.memory_space<vmem>>, vector<16xi32>,
        %parallel_loop3A_534 = arith.constant 16 : i32
        %parallel_loop3A_535 = vector.broadcast %parallel_loop3A_534 : i32 to vector<16xi32>
        %parallel_loop3A_536 = arith.addi %iota3A, %parallel_loop3A_535 : vector<16xi32>
        %parallel_loop3A_537 = arith.constant 0 : i32
        %parallel_loop3A_538 = arith.constant 0 : i32
        %parallel_loop3A_539 = tpu.memref_slice %arg5[%parallel_loop3A_305, %parallel_loop3A_537, %parallel_loop3A_538] : memref<2x256x128xi32, #tpu.memory_space<vmem>> -> memref<1x256x128xi32, #tpu.memory_space<vmem>>
        %parallel_loop3A_540 = tpu.memref_squeeze %parallel_loop3A_539 : memref<1x256x128xi32, #tpu.memory_space<vmem>> -> memref<256x128xi32, #tpu.memory_space<vmem>>
        tpu.vector_store_idx %parallel_loop3A_540[%parallel_loop3A_533, %parallel_loop3A_536], %broadcast_in_dim3A_1 {add = true} : memref<256x128xi32, #tpu.memory_space<vmem>>[vector<16xi32>, vector<16xi32>], vector<16xi32>,
        %parallel_loop3A_541 = arith.constant 0 : i32
        %parallel_loop3A_542 = arith.index_cast %parallel_loop3A_541 : i32 to index
        %parallel_loop3A_543 = arith.index_cast %parallel_loop3A_516 : i32 to index
        %parallel_loop3A_544 = arith.constant 32 : index
        %parallel_loop3A_545 = tpu.vector_load %arg4[%parallel_loop3A_542, %parallel_loop3A_543, %parallel_loop3A_544] {strides = array<i32>} : memref<2x128x128xi32, #tpu.memory_space<vmem>>, vector<16xi32>,
        %parallel_loop3A_546 = arith.constant 32 : i32
        %parallel_loop3A_547 = vector.broadcast %parallel_loop3A_546 : i32 to vector<16xi32>
        %parallel_loop3A_548 = arith.addi %iota3A, %parallel_loop3A_547 : vector<16xi32>
        %parallel_loop3A_549 = arith.constant 0 : i32
        %parallel_loop3A_550 = arith.constant 0 : i32
        %parallel_loop3A_551 = tpu.memref_slice %arg5[%parallel_loop3A_305, %parallel_loop3A_549, %parallel_loop3A_550] : memref<2x256x128xi32, #tpu.memory_space<vmem>> -> memref<1x256x128xi32, #tpu.memory_space<vmem>>
        %parallel_loop3A_552 = tpu.memref_squeeze %parallel_loop3A_551 : memref<1x256x128xi32, #tpu.memory_space<vmem>> -> memref<256x128xi32, #tpu.memory_space<vmem>>
        tpu.vector_store_idx %parallel_loop3A_552[%parallel_loop3A_545, %parallel_loop3A_548], %broadcast_in_dim3A_1 {add = true} : memref<256x128xi32, #tpu.memory_space<vmem>>[vector<16xi32>, vector<16xi32>], vector<16xi32>,
        %parallel_loop3A_553 = arith.constant 0 : i32
        %parallel_loop3A_554 = arith.index_cast %parallel_loop3A_553 : i32 to index
        %parallel_loop3A_555 = arith.index_cast %parallel_loop3A_516 : i32 to index
        %parallel_loop3A_556 = arith.constant 48 : index
        %parallel_loop3A_557 = tpu.vector_load %arg4[%parallel_loop3A_554, %parallel_loop3A_555, %parallel_loop3A_556] {strides = array<i32>} : memref<2x128x128xi32, #tpu.memory_space<vmem>>, vector<16xi32>,
        %parallel_loop3A_558 = arith.constant 48 : i32
        %parallel_loop3A_559 = vector.broadcast %parallel_loop3A_558 : i32 to vector<16xi32>
        %parallel_loop3A_560 = arith.addi %iota3A, %parallel_loop3A_559 : vector<16xi32>
        %parallel_loop3A_561 = arith.constant 0 : i32
        %parallel_loop3A_562 = arith.constant 0 : i32
        %parallel_loop3A_563 = tpu.memref_slice %arg5[%parallel_loop3A_305, %parallel_loop3A_561, %parallel_loop3A_562] : memref<2x256x128xi32, #tpu.memory_space<vmem>> -> memref<1x256x128xi32, #tpu.memory_space<vmem>>
        %parallel_loop3A_564 = tpu.memref_squeeze %parallel_loop3A_563 : memref<1x256x128xi32, #tpu.memory_space<vmem>> -> memref<256x128xi32, #tpu.memory_space<vmem>>
        tpu.vector_store_idx %parallel_loop3A_564[%parallel_loop3A_557, %parallel_loop3A_560], %broadcast_in_dim3A_1 {add = true} : memref<256x128xi32, #tpu.memory_space<vmem>>[vector<16xi32>, vector<16xi32>], vector<16xi32>,
        %parallel_loop3A_565 = arith.constant 0 : i32
        %parallel_loop3A_566 = arith.index_cast %parallel_loop3A_565 : i32 to index
        %parallel_loop3A_567 = arith.index_cast %parallel_loop3A_516 : i32 to index
        %parallel_loop3A_568 = arith.constant 64 : index
        %parallel_loop3A_569 = tpu.vector_load %arg4[%parallel_loop3A_566, %parallel_loop3A_567, %parallel_loop3A_568] {strides = array<i32>} : memref<2x128x128xi32, #tpu.memory_space<vmem>>, vector<16xi32>,
        %parallel_loop3A_570 = arith.constant 64 : i32
        %parallel_loop3A_571 = vector.broadcast %parallel_loop3A_570 : i32 to vector<16xi32>
        %parallel_loop3A_572 = arith.addi %iota3A, %parallel_loop3A_571 : vector<16xi32>
        %parallel_loop3A_573 = arith.constant 0 : i32
        %parallel_loop3A_574 = arith.constant 0 : i32
        %parallel_loop3A_575 = tpu.memref_slice %arg5[%parallel_loop3A_305, %parallel_loop3A_573, %parallel_loop3A_574] : memref<2x256x128xi32, #tpu.memory_space<vmem>> -> memref<1x256x128xi32, #tpu.memory_space<vmem>>
        %parallel_loop3A_576 = tpu.memref_squeeze %parallel_loop3A_575 : memref<1x256x128xi32, #tpu.memory_space<vmem>> -> memref<256x128xi32, #tpu.memory_space<vmem>>
        tpu.vector_store_idx %parallel_loop3A_576[%parallel_loop3A_569, %parallel_loop3A_572], %broadcast_in_dim3A_1 {add = true} : memref<256x128xi32, #tpu.memory_space<vmem>>[vector<16xi32>, vector<16xi32>], vector<16xi32>,
        %parallel_loop3A_577 = arith.constant 0 : i32
        %parallel_loop3A_578 = arith.index_cast %parallel_loop3A_577 : i32 to index
        %parallel_loop3A_579 = arith.index_cast %parallel_loop3A_516 : i32 to index
        %parallel_loop3A_580 = arith.constant 80 : index
        %parallel_loop3A_581 = tpu.vector_load %arg4[%parallel_loop3A_578, %parallel_loop3A_579, %parallel_loop3A_580] {strides = array<i32>} : memref<2x128x128xi32, #tpu.memory_space<vmem>>, vector<16xi32>,
        %parallel_loop3A_582 = arith.constant 80 : i32
        %parallel_loop3A_583 = vector.broadcast %parallel_loop3A_582 : i32 to vector<16xi32>
        %parallel_loop3A_584 = arith.addi %iota3A, %parallel_loop3A_583 : vector<16xi32>
        %parallel_loop3A_585 = arith.constant 0 : i32
        %parallel_loop3A_586 = arith.constant 0 : i32
        %parallel_loop3A_587 = tpu.memref_slice %arg5[%parallel_loop3A_305, %parallel_loop3A_585, %parallel_loop3A_586] : memref<2x256x128xi32, #tpu.memory_space<vmem>> -> memref<1x256x128xi32, #tpu.memory_space<vmem>>
        %parallel_loop3A_588 = tpu.memref_squeeze %parallel_loop3A_587 : memref<1x256x128xi32, #tpu.memory_space<vmem>> -> memref<256x128xi32, #tpu.memory_space<vmem>>
        tpu.vector_store_idx %parallel_loop3A_588[%parallel_loop3A_581, %parallel_loop3A_584], %broadcast_in_dim3A_1 {add = true} : memref<256x128xi32, #tpu.memory_space<vmem>>[vector<16xi32>, vector<16xi32>], vector<16xi32>,
        %parallel_loop3A_589 = arith.constant 0 : i32
        %parallel_loop3A_590 = arith.index_cast %parallel_loop3A_589 : i32 to index
        %parallel_loop3A_591 = arith.index_cast %parallel_loop3A_516 : i32 to index
        %parallel_loop3A_592 = arith.constant 96 : index
        %parallel_loop3A_593 = tpu.vector_load %arg4[%parallel_loop3A_590, %parallel_loop3A_591, %parallel_loop3A_592] {strides = array<i32>} : memref<2x128x128xi32, #tpu.memory_space<vmem>>, vector<16xi32>,
        %parallel_loop3A_594 = arith.constant 96 : i32
        %parallel_loop3A_595 = vector.broadcast %parallel_loop3A_594 : i32 to vector<16xi32>
        %parallel_loop3A_596 = arith.addi %iota3A, %parallel_loop3A_595 : vector<16xi32>
        %parallel_loop3A_597 = arith.constant 0 : i32
        %parallel_loop3A_598 = arith.constant 0 : i32
        %parallel_loop3A_599 = tpu.memref_slice %arg5[%parallel_loop3A_305, %parallel_loop3A_597, %parallel_loop3A_598] : memref<2x256x128xi32, #tpu.memory_space<vmem>> -> memref<1x256x128xi32, #tpu.memory_space<vmem>>
        %parallel_loop3A_600 = tpu.memref_squeeze %parallel_loop3A_599 : memref<1x256x128xi32, #tpu.memory_space<vmem>> -> memref<256x128xi32, #tpu.memory_space<vmem>>
        tpu.vector_store_idx %parallel_loop3A_600[%parallel_loop3A_593, %parallel_loop3A_596], %broadcast_in_dim3A_1 {add = true} : memref<256x128xi32, #tpu.memory_space<vmem>>[vector<16xi32>, vector<16xi32>], vector<16xi32>,
        %parallel_loop3A_601 = arith.constant 0 : i32
        %parallel_loop3A_602 = arith.index_cast %parallel_loop3A_601 : i32 to index
        %parallel_loop3A_603 = arith.index_cast %parallel_loop3A_516 : i32 to index
        %parallel_loop3A_604 = arith.constant 112 : index
        %parallel_loop3A_605 = tpu.vector_load %arg4[%parallel_loop3A_602, %parallel_loop3A_603, %parallel_loop3A_604] {strides = array<i32>} : memref<2x128x128xi32, #tpu.memory_space<vmem>>, vector<16xi32>,
        %parallel_loop3A_606 = arith.constant 112 : i32
        %parallel_loop3A_607 = vector.broadcast %parallel_loop3A_606 : i32 to vector<16xi32>
        %parallel_loop3A_608 = arith.addi %iota3A, %parallel_loop3A_607 : vector<16xi32>
        %parallel_loop3A_609 = arith.constant 0 : i32
        %parallel_loop3A_610 = arith.constant 0 : i32
        %parallel_loop3A_611 = tpu.memref_slice %arg5[%parallel_loop3A_305, %parallel_loop3A_609, %parallel_loop3A_610] : memref<2x256x128xi32, #tpu.memory_space<vmem>> -> memref<1x256x128xi32, #tpu.memory_space<vmem>>
        %parallel_loop3A_612 = tpu.memref_squeeze %parallel_loop3A_611 : memref<1x256x128xi32, #tpu.memory_space<vmem>> -> memref<256x128xi32, #tpu.memory_space<vmem>>
        tpu.vector_store_idx %parallel_loop3A_612[%parallel_loop3A_605, %parallel_loop3A_608], %broadcast_in_dim3A_1 {add = true} : memref<256x128xi32, #tpu.memory_space<vmem>>[vector<16xi32>, vector<16xi32>], vector<16xi32>,
      } {sc.loop_unroll_factor = 8 : i64, sc.parallel_access}
      %add3A_306 = arith.constant 2 : i32
      %add3A_307 = arith.addi %add3A_237, %add3A_306 : i32
      %lt3A_308 = arith.constant 16 : i32
      %lt3A_309 = arith.cmpi slt, %add3A_307, %lt3A_308 : i32
      %convert_element_type3A_310 = arith.extui %lt3A_309 : i1 to i32
      %cond3A_311 = arith.constant 0 : i32
      %cond3A_312 = arith.cmpi ne, %convert_element_type3A_310, %cond3A_311 : i32
      scf.if %cond3A_312 {
        %add3A_516 = arith.constant 2 : i32
        %add3A_517 = arith.addi %add3A_237, %add3A_516 : i32
        %mul3A_518 = arith.constant 32 : i32
        %mul3A_519 = arith.muli %add3A_517, %mul3A_518 : i32
        %add3A_520 = arith.addi %mul3A_519, %add3A : i32
        %jit3A_521 = arith.constant 32 : i32
        %div3A_522 = arith.divsi %add3A_520, %jit3A_521 : i32
        %sign3A_523 = arith.constant 0 : i32
        %sign3A_524 = arith.cmpi sgt, %add3A_520, %sign3A_523 : i32
        %sign3A_525 = arith.extui %sign3A_524 : i1 to i32
        %sign3A_526 = arith.constant 0 : i32
        %sign3A_527 = arith.cmpi slt, %add3A_520, %sign3A_526 : i32
        %sign3A_528 = arith.extui %sign3A_527 : i1 to i32
        %sign3A_529 = arith.subi %sign3A_525, %sign3A_528 : i32
        %sign3A_530 = arith.constant 0 : i32
        %sign3A_531 = arith.cmpi sgt, %jit3A_521, %sign3A_530 : i32
        %sign3A_532 = arith.extui %sign3A_531 : i1 to i32
        %sign3A_533 = arith.constant 0 : i32
        %sign3A_534 = arith.cmpi slt, %jit3A_521, %sign3A_533 : i32
        %sign3A_535 = arith.extui %sign3A_534 : i1 to i32
        %sign3A_536 = arith.subi %sign3A_532, %sign3A_535 : i32
        %ne3A_537 = arith.cmpi ne, %sign3A_529, %sign3A_536 : i32
        %rem3A_538 = arith.remsi %add3A_520, %jit3A_521 : i32
        %ne3A_539 = arith.constant 0 : i32
        %ne3A_540 = arith.cmpi ne, %rem3A_538, %ne3A_539 : i32
        %and3A_541 = arith.andi %ne3A_537, %ne3A_540 : i1
        %sub3A_542 = arith.constant 1 : i32
        %sub3A_543 = arith.subi %div3A_522, %sub3A_542 : i32
        %select_n3A_544 = arith.select %and3A_541, %sub3A_543, %div3A_522 : i32
        %jit3A_545 = arith.constant 32 : i32
        %eq3A_546 = arith.constant 0 : i32
        %eq3A_547 = arith.cmpi eq, %jit3A_545, %eq3A_546 : i32
        %jit3A_548 = arith.constant 1 : i32
        %select_n3A_549 = arith.select %eq3A_547, %jit3A_548, %jit3A_545 : i32
        %rem3A_550 = arith.remsi %add3A_520, %select_n3A_549 : i32
        %ne3A_551 = arith.constant 0 : i32
        %ne3A_552 = arith.cmpi ne, %rem3A_550, %ne3A_551 : i32
        %lt3A_553 = arith.constant 0 : i32
        %lt3A_554 = arith.cmpi slt, %rem3A_550, %lt3A_553 : i32
        %lt3A_555 = arith.constant 0 : i32
        %lt3A_556 = arith.cmpi slt, %select_n3A_549, %lt3A_555 : i32
        %ne3A_557 = arith.xori %lt3A_554, %lt3A_556 : i1
        %and3A_558 = arith.andi %ne3A_557, %ne3A_552 : i1
        %add3A_559 = arith.addi %rem3A_550, %select_n3A_549 : i32
        %select_n3A_560 = arith.select %and3A_558, %add3A_559, %rem3A_550 : i32
        %dma_start3A_561 = arith.constant 0 : i32
        %dma_start3A_562 = arith.constant 0 : i32
        %dma_start3A_563 = arith.constant 0 : i32
        %dma_start3A_564 = tpu.memref_slice %arg4[%dma_start3A_561, %dma_start3A_562, %dma_start3A_563] : memref<2x128x128xi32, #tpu.memory_space<vmem>> -> memref<1x128x128xi32, #tpu.memory_space<vmem>>
        %dma_start3A_565 = tpu.memref_squeeze %dma_start3A_564 : memref<1x128x128xi32, #tpu.memory_space<vmem>> -> memref<128x128xi32, #tpu.memory_space<vmem>>
        %dma_start3A_566 = arith.constant 0 : i32
        %dma_start3A_567 = arith.constant 0 : i32
        %dma_start3A_568 = tpu.memref_slice %arg2[%select_n3A_544, %dma_start3A_566, %select_n3A_560, %dma_start3A_567] : memref<16x128x32x128xi32, #tpu.memory_space<hbm>> -> memref<1x128x1x128xi32, #tpu.memory_space<hbm>>
        %dma_start3A_569 = tpu.memref_squeeze %dma_start3A_568 : memref<1x128x1x128xi32, #tpu.memory_space<hbm>> -> memref<128x128xi32, #tpu.memory_space<hbm>>
        %dma_start3A_570 = arith.constant 0 : i32
        %dma_start3A_571 = arith.constant 0 : i32
        %dma_start3A_572 = tpu.memref_slice %arg4[%dma_start3A_561, %dma_start3A_570, %dma_start3A_571] : memref<2x128x128xi32, #tpu.memory_space<vmem>> -> memref<1x128x128xi32, #tpu.memory_space<vmem>>
        %dma_start3A_573 = tpu.memref_squeeze %dma_start3A_572 : memref<1x128x128xi32, #tpu.memory_space<vmem>> -> memref<128x128xi32, #tpu.memory_space<vmem>>
        %dma_start3A_574 = arith.constant 0 : i32
        %dma_start3A_575 = arith.constant 0 : i32
        %dma_start3A_576 = tpu.memref_slice %arg2[%select_n3A_544, %dma_start3A_574, %select_n3A_560, %dma_start3A_575] : memref<16x128x32x128xi32, #tpu.memory_space<hbm>> -> memref<1x128x1x128xi32, #tpu.memory_space<hbm>>
        %dma_start3A_577 = tpu.memref_squeeze %dma_start3A_576 : memref<1x128x1x128xi32, #tpu.memory_space<hbm>> -> memref<128x128xi32, #tpu.memory_space<hbm>>
        tpu.enqueue_dma source(%dma_start3A_577 : memref<128x128xi32, #tpu.memory_space<hbm>>) target(%dma_start3A_573 : memref<128x128xi32, #tpu.memory_space<vmem>>) target_semaphore(%arg6 : memref<!tpu.dma_semaphore, #tpu.memory_space<semaphore_mem>>)
      } else {
      }
      %mul3A_313 = arith.constant 32 : i32
      %mul3A_314 = arith.muli %add3A_237, %mul3A_313 : i32
      %add3A_315 = arith.addi %mul3A_314, %add3A : i32
      %jit3A_316 = arith.constant 32 : i32
      %div3A_317 = arith.divsi %add3A_315, %jit3A_316 : i32
      %sign3A_318 = arith.constant 0 : i32
      %sign3A_319 = arith.cmpi sgt, %add3A_315, %sign3A_318 : i32
      %sign3A_320 = arith.extui %sign3A_319 : i1 to i32
      %sign3A_321 = arith.constant 0 : i32
      %sign3A_322 = arith.cmpi slt, %add3A_315, %sign3A_321 : i32
      %sign3A_323 = arith.extui %sign3A_322 : i1 to i32
      %sign3A_324 = arith.subi %sign3A_320, %sign3A_323 : i32
      %sign3A_325 = arith.constant 0 : i32
      %sign3A_326 = arith.cmpi sgt, %jit3A_316, %sign3A_325 : i32
      %sign3A_327 = arith.extui %sign3A_326 : i1 to i32
      %sign3A_328 = arith.constant 0 : i32
      %sign3A_329 = arith.cmpi slt, %jit3A_316, %sign3A_328 : i32
      %sign3A_330 = arith.extui %sign3A_329 : i1 to i32
      %sign3A_331 = arith.subi %sign3A_327, %sign3A_330 : i32
      %ne3A_332 = arith.cmpi ne, %sign3A_324, %sign3A_331 : i32
      %rem3A_333 = arith.remsi %add3A_315, %jit3A_316 : i32
      %ne3A_334 = arith.constant 0 : i32
      %ne3A_335 = arith.cmpi ne, %rem3A_333, %ne3A_334 : i32
      %and3A_336 = arith.andi %ne3A_332, %ne3A_335 : i1
      %sub3A_337 = arith.constant 1 : i32
      %sub3A_338 = arith.subi %div3A_317, %sub3A_337 : i32
      %select_n3A_339 = arith.select %and3A_336, %sub3A_338, %div3A_317 : i32
      %jit3A_340 = arith.constant 32 : i32
      %eq3A_341 = arith.constant 0 : i32
      %eq3A_342 = arith.cmpi eq, %jit3A_340, %eq3A_341 : i32
      %jit3A_343 = arith.constant 1 : i32
      %select_n3A_344 = arith.select %eq3A_342, %jit3A_343, %jit3A_340 : i32
      %rem3A_345 = arith.remsi %add3A_315, %select_n3A_344 : i32
      %ne3A_346 = arith.constant 0 : i32
      %ne3A_347 = arith.cmpi ne, %rem3A_345, %ne3A_346 : i32
      %lt3A_348 = arith.constant 0 : i32
      %lt3A_349 = arith.cmpi slt, %rem3A_345, %lt3A_348 : i32
      %lt3A_350 = arith.constant 0 : i32
      %lt3A_351 = arith.cmpi slt, %select_n3A_344, %lt3A_350 : i32
      %ne3A_352 = arith.xori %lt3A_349, %lt3A_351 : i1
      %and3A_353 = arith.andi %ne3A_352, %ne3A_347 : i1
      %add3A_354 = arith.addi %rem3A_345, %select_n3A_344 : i32
      %select_n3A_355 = arith.select %and3A_353, %add3A_354, %rem3A_345 : i32
      %dma_start3A_356 = arith.constant 0 : i32
      %dma_start3A_357 = arith.constant 0 : i32
      %dma_start3A_358 = arith.constant 0 : i32
      %dma_start3A_359 = tpu.memref_slice %arg5[%dma_start3A_356, %dma_start3A_357, %dma_start3A_358] : memref<2x256x128xi32, #tpu.memory_space<vmem>> -> memref<1x256x128xi32, #tpu.memory_space<vmem>>
      %dma_start3A_360 = tpu.memref_squeeze %dma_start3A_359 : memref<1x256x128xi32, #tpu.memory_space<vmem>> -> memref<256x128xi32, #tpu.memory_space<vmem>>
      %dma_start3A_361 = arith.constant 0 : i32
      %dma_start3A_362 = arith.constant 0 : i32
      %dma_start3A_363 = tpu.memref_slice %arg3[%select_n3A_339, %dma_start3A_361, %select_n3A_355, %dma_start3A_362] : memref<16x256x32x128xi32, #tpu.memory_space<hbm>> -> memref<1x256x1x128xi32, #tpu.memory_space<hbm>>
      %dma_start3A_364 = tpu.memref_squeeze %dma_start3A_363 : memref<1x256x1x128xi32, #tpu.memory_space<hbm>> -> memref<256x128xi32, #tpu.memory_space<hbm>>
      %dma_start3A_365 = arith.constant 0 : i32
      %dma_start3A_366 = arith.constant 0 : i32
      %dma_start3A_367 = tpu.memref_slice %arg3[%select_n3A_339, %dma_start3A_365, %select_n3A_355, %dma_start3A_366] : memref<16x256x32x128xi32, #tpu.memory_space<hbm>> -> memref<1x256x1x128xi32, #tpu.memory_space<hbm>>
      %dma_start3A_368 = tpu.memref_squeeze %dma_start3A_367 : memref<1x256x1x128xi32, #tpu.memory_space<hbm>> -> memref<256x128xi32, #tpu.memory_space<hbm>>
      %dma_start3A_369 = arith.constant 0 : i32
      %dma_start3A_370 = arith.constant 0 : i32
      %dma_start3A_371 = tpu.memref_slice %arg5[%dma_start3A_356, %dma_start3A_369, %dma_start3A_370] : memref<2x256x128xi32, #tpu.memory_space<vmem>> -> memref<1x256x128xi32, #tpu.memory_space<vmem>>
      %dma_start3A_372 = tpu.memref_squeeze %dma_start3A_371 : memref<1x256x128xi32, #tpu.memory_space<vmem>> -> memref<256x128xi32, #tpu.memory_space<vmem>>
      tpu.enqueue_dma source(%dma_start3A_372 : memref<256x128xi32, #tpu.memory_space<vmem>>) target(%dma_start3A_368 : memref<256x128xi32, #tpu.memory_space<hbm>>) target_semaphore(%arg8 : memref<!tpu.dma_semaphore, #tpu.memory_space<semaphore_mem>>)
      %mul3A_373 = arith.constant 2 : i32
      %mul3A_374 = arith.muli %scan3A_233, %mul3A_373 : i32
      %add3A_375 = arith.constant 1 : i32
      %add3A_376 = arith.addi %mul3A_374, %add3A_375 : i32
      %mul3A_377 = arith.constant 32 : i32
      %mul3A_378 = arith.muli %add3A_376, %mul3A_377 : i32
      %add3A_379 = arith.addi %mul3A_378, %add3A : i32
      %jit3A_380 = arith.constant 32 : i32
      %div3A_381 = arith.divsi %add3A_379, %jit3A_380 : i32
      %sign3A_382 = arith.constant 0 : i32
      %sign3A_383 = arith.cmpi sgt, %add3A_379, %sign3A_382 : i32
      %sign3A_384 = arith.extui %sign3A_383 : i1 to i32
      %sign3A_385 = arith.constant 0 : i32
      %sign3A_386 = arith.cmpi slt, %add3A_379, %sign3A_385 : i32
      %sign3A_387 = arith.extui %sign3A_386 : i1 to i32
      %sign3A_388 = arith.subi %sign3A_384, %sign3A_387 : i32
      %sign3A_389 = arith.constant 0 : i32
      %sign3A_390 = arith.cmpi sgt, %jit3A_380, %sign3A_389 : i32
      %sign3A_391 = arith.extui %sign3A_390 : i1 to i32
      %sign3A_392 = arith.constant 0 : i32
      %sign3A_393 = arith.cmpi slt, %jit3A_380, %sign3A_392 : i32
      %sign3A_394 = arith.extui %sign3A_393 : i1 to i32
      %sign3A_395 = arith.subi %sign3A_391, %sign3A_394 : i32
      %ne3A_396 = arith.cmpi ne, %sign3A_388, %sign3A_395 : i32
      %rem3A_397 = arith.remsi %add3A_379, %jit3A_380 : i32
      %ne3A_398 = arith.constant 0 : i32
      %ne3A_399 = arith.cmpi ne, %rem3A_397, %ne3A_398 : i32
      %and3A_400 = arith.andi %ne3A_396, %ne3A_399 : i1
      %sub3A_401 = arith.constant 1 : i32
      %sub3A_402 = arith.subi %div3A_381, %sub3A_401 : i32
      %select_n3A_403 = arith.select %and3A_400, %sub3A_402, %div3A_381 : i32
      %jit3A_404 = arith.constant 32 : i32
      %eq3A_405 = arith.constant 0 : i32
      %eq3A_406 = arith.cmpi eq, %jit3A_404, %eq3A_405 : i32
      %jit3A_407 = arith.constant 1 : i32
      %select_n3A_408 = arith.select %eq3A_406, %jit3A_407, %jit3A_404 : i32
      %rem3A_409 = arith.remsi %add3A_379, %select_n3A_408 : i32
      %ne3A_410 = arith.constant 0 : i32
      %ne3A_411 = arith.cmpi ne, %rem3A_409, %ne3A_410 : i32
      %lt3A_412 = arith.constant 0 : i32
      %lt3A_413 = arith.cmpi slt, %rem3A_409, %lt3A_412 : i32
      %lt3A_414 = arith.constant 0 : i32
      %lt3A_415 = arith.cmpi slt, %select_n3A_408, %lt3A_414 : i32
      %ne3A_416 = arith.xori %lt3A_413, %lt3A_415 : i1
      %and3A_417 = arith.andi %ne3A_416, %ne3A_411 : i1
      %add3A_418 = arith.addi %rem3A_409, %select_n3A_408 : i32
      %select_n3A_419 = arith.select %and3A_417, %add3A_418, %rem3A_409 : i32
      %gt3A_420 = arith.constant 0 : i32
      %gt3A_421 = arith.cmpi sgt, %scan3A_233, %gt3A_420 : i32
      %convert_element_type3A_422 = arith.extui %gt3A_421 : i1 to i32
      %cond3A_423 = arith.constant 0 : i32
      %cond3A_424 = arith.cmpi ne, %convert_element_type3A_422, %cond3A_423 : i32
      scf.if %cond3A_424 {
        %dma_wait3A_516 = arith.constant 1 : i32
        %dma_wait3A_517 = arith.constant 0 : i32
        %dma_wait3A_518 = arith.constant 0 : i32
        %dma_wait3A_519 = tpu.memref_slice %arg5[%dma_wait3A_516, %dma_wait3A_517, %dma_wait3A_518] : memref<2x256x128xi32, #tpu.memory_space<vmem>> -> memref<1x256x128xi32, #tpu.memory_space<vmem>>
        %dma_wait3A_520 = tpu.memref_squeeze %dma_wait3A_519 : memref<1x256x128xi32, #tpu.memory_space<vmem>> -> memref<256x128xi32, #tpu.memory_space<vmem>>
        %dma_wait3A_521 = arith.constant 0 : i32
        %dma_wait3A_522 = arith.constant 0 : i32
        %dma_wait3A_523 = tpu.memref_slice %arg3[%select_n3A_403, %dma_wait3A_521, %select_n3A_419, %dma_wait3A_522] : memref<16x256x32x128xi32, #tpu.memory_space<hbm>> -> memref<1x256x1x128xi32, #tpu.memory_space<hbm>>
        %dma_wait3A_524 = tpu.memref_squeeze %dma_wait3A_523 : memref<1x256x1x128xi32, #tpu.memory_space<hbm>> -> memref<256x128xi32, #tpu.memory_space<hbm>>
        %dma_wait3A_525 = arith.constant 0 : i32
        %dma_wait3A_526 = arith.constant 0 : i32
        %dma_wait3A_527 = tpu.memref_slice %arg3[%select_n3A_403, %dma_wait3A_525, %select_n3A_419, %dma_wait3A_526] : memref<16x256x32x128xi32, #tpu.memory_space<hbm>> -> memref<1x256x1x128xi32, #tpu.memory_space<hbm>>
        %dma_wait3A_528 = tpu.memref_squeeze %dma_wait3A_527 : memref<1x256x1x128xi32, #tpu.memory_space<hbm>> -> memref<256x128xi32, #tpu.memory_space<hbm>>
        %dma_wait3A_529 = arith.constant 0 : i32
        %dma_wait3A_530 = arith.constant 0 : i32
        %dma_wait3A_531 = tpu.memref_slice %arg5[%dma_wait3A_516, %dma_wait3A_529, %dma_wait3A_530] : memref<2x256x128xi32, #tpu.memory_space<vmem>> -> memref<1x256x128xi32, #tpu.memory_space<vmem>>
        %dma_wait3A_532 = tpu.memref_squeeze %dma_wait3A_531 : memref<1x256x128xi32, #tpu.memory_space<vmem>> -> memref<256x128xi32, #tpu.memory_space<vmem>>
        tpu.wait_dma2 semaphore(%arg9 : memref<!tpu.dma_semaphore, #tpu.memory_space<semaphore_mem>>) src(%dma_wait3A_532 : memref<256x128xi32, #tpu.memory_space<vmem>>) dst(%dma_wait3A_528 : memref<256x128xi32, #tpu.memory_space<hbm>>)
      } else {
      }
      %parallel_loop3A_425 = arith.constant 0 : i32
      %parallel_loop3A_426 = arith.constant 256 : i32
      %parallel_loop3A_427 = arith.constant 1 : i32
      scf.for %parallel_loop3A_516 = %parallel_loop3A_425 to %parallel_loop3A_426 step %parallel_loop3A_427  : i32 {
        %parallel_loop3A_517 = arith.constant 1 : i32
        %parallel_loop3A_518 = arith.index_cast %parallel_loop3A_517 : i32 to index
        %parallel_loop3A_519 = arith.index_cast %parallel_loop3A_516 : i32 to index
        %parallel_loop3A_520 = arith.constant 0 : index
        %parallel_loop3A_521 = tpu.vector_load %arg5[%parallel_loop3A_518, %parallel_loop3A_519, %parallel_loop3A_520] {strides = array<i32>} : memref<2x256x128xi32, #tpu.memory_space<vmem>>, vector<16xi32>,
        tpu.vector_store %arg5[%parallel_loop3A_518, %parallel_loop3A_519, %parallel_loop3A_520], %broadcast_in_dim3A_3 {strides = array<i32>} : memref<2x256x128xi32, #tpu.memory_space<vmem>>, vector<16xi32>,
        %parallel_loop3A_522 = arith.constant 1 : i32
        %parallel_loop3A_523 = arith.index_cast %parallel_loop3A_522 : i32 to index
        %parallel_loop3A_524 = arith.index_cast %parallel_loop3A_516 : i32 to index
        %parallel_loop3A_525 = arith.constant 16 : index
        %parallel_loop3A_526 = tpu.vector_load %arg5[%parallel_loop3A_523, %parallel_loop3A_524, %parallel_loop3A_525] {strides = array<i32>} : memref<2x256x128xi32, #tpu.memory_space<vmem>>, vector<16xi32>,
        tpu.vector_store %arg5[%parallel_loop3A_523, %parallel_loop3A_524, %parallel_loop3A_525], %broadcast_in_dim3A_3 {strides = array<i32>} : memref<2x256x128xi32, #tpu.memory_space<vmem>>, vector<16xi32>,
        %parallel_loop3A_527 = arith.constant 1 : i32
        %parallel_loop3A_528 = arith.index_cast %parallel_loop3A_527 : i32 to index
        %parallel_loop3A_529 = arith.index_cast %parallel_loop3A_516 : i32 to index
        %parallel_loop3A_530 = arith.constant 32 : index
        %parallel_loop3A_531 = tpu.vector_load %arg5[%parallel_loop3A_528, %parallel_loop3A_529, %parallel_loop3A_530] {strides = array<i32>} : memref<2x256x128xi32, #tpu.memory_space<vmem>>, vector<16xi32>,
        tpu.vector_store %arg5[%parallel_loop3A_528, %parallel_loop3A_529, %parallel_loop3A_530], %broadcast_in_dim3A_3 {strides = array<i32>} : memref<2x256x128xi32, #tpu.memory_space<vmem>>, vector<16xi32>,
        %parallel_loop3A_532 = arith.constant 1 : i32
        %parallel_loop3A_533 = arith.index_cast %parallel_loop3A_532 : i32 to index
        %parallel_loop3A_534 = arith.index_cast %parallel_loop3A_516 : i32 to index
        %parallel_loop3A_535 = arith.constant 48 : index
        %parallel_loop3A_536 = tpu.vector_load %arg5[%parallel_loop3A_533, %parallel_loop3A_534, %parallel_loop3A_535] {strides = array<i32>} : memref<2x256x128xi32, #tpu.memory_space<vmem>>, vector<16xi32>,
        tpu.vector_store %arg5[%parallel_loop3A_533, %parallel_loop3A_534, %parallel_loop3A_535], %broadcast_in_dim3A_3 {strides = array<i32>} : memref<2x256x128xi32, #tpu.memory_space<vmem>>, vector<16xi32>,
        %parallel_loop3A_537 = arith.constant 1 : i32
        %parallel_loop3A_538 = arith.index_cast %parallel_loop3A_537 : i32 to index
        %parallel_loop3A_539 = arith.index_cast %parallel_loop3A_516 : i32 to index
        %parallel_loop3A_540 = arith.constant 64 : index
        %parallel_loop3A_541 = tpu.vector_load %arg5[%parallel_loop3A_538, %parallel_loop3A_539, %parallel_loop3A_540] {strides = array<i32>} : memref<2x256x128xi32, #tpu.memory_space<vmem>>, vector<16xi32>,
        tpu.vector_store %arg5[%parallel_loop3A_538, %parallel_loop3A_539, %parallel_loop3A_540], %broadcast_in_dim3A_3 {strides = array<i32>} : memref<2x256x128xi32, #tpu.memory_space<vmem>>, vector<16xi32>,
        %parallel_loop3A_542 = arith.constant 1 : i32
        %parallel_loop3A_543 = arith.index_cast %parallel_loop3A_542 : i32 to index
        %parallel_loop3A_544 = arith.index_cast %parallel_loop3A_516 : i32 to index
        %parallel_loop3A_545 = arith.constant 80 : index
        %parallel_loop3A_546 = tpu.vector_load %arg5[%parallel_loop3A_543, %parallel_loop3A_544, %parallel_loop3A_545] {strides = array<i32>} : memref<2x256x128xi32, #tpu.memory_space<vmem>>, vector<16xi32>,
        tpu.vector_store %arg5[%parallel_loop3A_543, %parallel_loop3A_544, %parallel_loop3A_545], %broadcast_in_dim3A_3 {strides = array<i32>} : memref<2x256x128xi32, #tpu.memory_space<vmem>>, vector<16xi32>,
        %parallel_loop3A_547 = arith.constant 1 : i32
        %parallel_loop3A_548 = arith.index_cast %parallel_loop3A_547 : i32 to index
        %parallel_loop3A_549 = arith.index_cast %parallel_loop3A_516 : i32 to index
        %parallel_loop3A_550 = arith.constant 96 : index
        %parallel_loop3A_551 = tpu.vector_load %arg5[%parallel_loop3A_548, %parallel_loop3A_549, %parallel_loop3A_550] {strides = array<i32>} : memref<2x256x128xi32, #tpu.memory_space<vmem>>, vector<16xi32>,
        tpu.vector_store %arg5[%parallel_loop3A_548, %parallel_loop3A_549, %parallel_loop3A_550], %broadcast_in_dim3A_3 {strides = array<i32>} : memref<2x256x128xi32, #tpu.memory_space<vmem>>, vector<16xi32>,
        %parallel_loop3A_552 = arith.constant 1 : i32
        %parallel_loop3A_553 = arith.index_cast %parallel_loop3A_552 : i32 to index
        %parallel_loop3A_554 = arith.index_cast %parallel_loop3A_516 : i32 to index
        %parallel_loop3A_555 = arith.constant 112 : index
        %parallel_loop3A_556 = tpu.vector_load %arg5[%parallel_loop3A_553, %parallel_loop3A_554, %parallel_loop3A_555] {strides = array<i32>} : memref<2x256x128xi32, #tpu.memory_space<vmem>>, vector<16xi32>,
        tpu.vector_store %arg5[%parallel_loop3A_553, %parallel_loop3A_554, %parallel_loop3A_555], %broadcast_in_dim3A_3 {strides = array<i32>} : memref<2x256x128xi32, #tpu.memory_space<vmem>>, vector<16xi32>,
      } {sc.loop_unroll_factor = 4 : i64, sc.parallel_access}
      %dma_wait3A_428 = arith.constant 1 : i32
      %dma_wait3A_429 = arith.constant 0 : i32
      %dma_wait3A_430 = arith.constant 0 : i32
      %dma_wait3A_431 = tpu.memref_slice %arg4[%dma_wait3A_428, %dma_wait3A_429, %dma_wait3A_430] : memref<2x128x128xi32, #tpu.memory_space<vmem>> -> memref<1x128x128xi32, #tpu.memory_space<vmem>>
      %dma_wait3A_432 = tpu.memref_squeeze %dma_wait3A_431 : memref<1x128x128xi32, #tpu.memory_space<vmem>> -> memref<128x128xi32, #tpu.memory_space<vmem>>
      %dma_wait3A_433 = arith.constant 0 : i32
      %dma_wait3A_434 = arith.constant 0 : i32
      %dma_wait3A_435 = tpu.memref_slice %arg2[%select_n3A_403, %dma_wait3A_433, %select_n3A_419, %dma_wait3A_434] : memref<16x128x32x128xi32, #tpu.memory_space<hbm>> -> memref<1x128x1x128xi32, #tpu.memory_space<hbm>>
      %dma_wait3A_436 = tpu.memref_squeeze %dma_wait3A_435 : memref<1x128x1x128xi32, #tpu.memory_space<hbm>> -> memref<128x128xi32, #tpu.memory_space<hbm>>
      %dma_wait3A_437 = arith.constant 0 : i32
      %dma_wait3A_438 = arith.constant 0 : i32
      %dma_wait3A_439 = tpu.memref_slice %arg4[%dma_wait3A_428, %dma_wait3A_437, %dma_wait3A_438] : memref<2x128x128xi32, #tpu.memory_space<vmem>> -> memref<1x128x128xi32, #tpu.memory_space<vmem>>
      %dma_wait3A_440 = tpu.memref_squeeze %dma_wait3A_439 : memref<1x128x128xi32, #tpu.memory_space<vmem>> -> memref<128x128xi32, #tpu.memory_space<vmem>>
      %dma_wait3A_441 = arith.constant 0 : i32
      %dma_wait3A_442 = arith.constant 0 : i32
      %dma_wait3A_443 = tpu.memref_slice %arg2[%select_n3A_403, %dma_wait3A_441, %select_n3A_419, %dma_wait3A_442] : memref<16x128x32x128xi32, #tpu.memory_space<hbm>> -> memref<1x128x1x128xi32, #tpu.memory_space<hbm>>
      %dma_wait3A_444 = tpu.memref_squeeze %dma_wait3A_443 : memref<1x128x1x128xi32, #tpu.memory_space<hbm>> -> memref<128x128xi32, #tpu.memory_space<hbm>>
      tpu.wait_dma2 semaphore(%arg7 : memref<!tpu.dma_semaphore, #tpu.memory_space<semaphore_mem>>) src(%dma_wait3A_444 : memref<128x128xi32, #tpu.memory_space<hbm>>) dst(%dma_wait3A_440 : memref<128x128xi32, #tpu.memory_space<vmem>>)
      %parallel_loop3A_445 = arith.constant 0 : i32
      %parallel_loop3A_446 = arith.constant 128 : i32
      %parallel_loop3A_447 = arith.constant 1 : i32
      %parallel_loop3A_448 = arith.constant 1 : i32
      scf.for %parallel_loop3A_516 = %parallel_loop3A_445 to %parallel_loop3A_446 step %parallel_loop3A_447  : i32 {
        %parallel_loop3A_517 = arith.constant 1 : i32
        %parallel_loop3A_518 = arith.index_cast %parallel_loop3A_517 : i32 to index
        %parallel_loop3A_519 = arith.index_cast %parallel_loop3A_516 : i32 to index
        %parallel_loop3A_520 = arith.constant 0 : index
        %parallel_loop3A_521 = tpu.vector_load %arg4[%parallel_loop3A_518, %parallel_loop3A_519, %parallel_loop3A_520] {strides = array<i32>} : memref<2x128x128xi32, #tpu.memory_space<vmem>>, vector<16xi32>,
        %parallel_loop3A_522 = arith.constant 0 : i32
        %parallel_loop3A_523 = vector.broadcast %parallel_loop3A_522 : i32 to vector<16xi32>
        %parallel_loop3A_524 = arith.addi %iota3A, %parallel_loop3A_523 : vector<16xi32>
        %parallel_loop3A_525 = arith.constant 0 : i32
        %parallel_loop3A_526 = arith.constant 0 : i32
        %parallel_loop3A_527 = tpu.memref_slice %arg5[%parallel_loop3A_448, %parallel_loop3A_525, %parallel_loop3A_526] : memref<2x256x128xi32, #tpu.memory_space<vmem>> -> memref<1x256x128xi32, #tpu.memory_space<vmem>>
        %parallel_loop3A_528 = tpu.memref_squeeze %parallel_loop3A_527 : memref<1x256x128xi32, #tpu.memory_space<vmem>> -> memref<256x128xi32, #tpu.memory_space<vmem>>
        tpu.vector_store_idx %parallel_loop3A_528[%parallel_loop3A_521, %parallel_loop3A_524], %broadcast_in_dim3A_1 {add = true} : memref<256x128xi32, #tpu.memory_space<vmem>>[vector<16xi32>, vector<16xi32>], vector<16xi32>,
        %parallel_loop3A_529 = arith.constant 1 : i32
        %parallel_loop3A_530 = arith.index_cast %parallel_loop3A_529 : i32 to index
        %parallel_loop3A_531 = arith.index_cast %parallel_loop3A_516 : i32 to index
        %parallel_loop3A_532 = arith.constant 16 : index
        %parallel_loop3A_533 = tpu.vector_load %arg4[%parallel_loop3A_530, %parallel_loop3A_531, %parallel_loop3A_532] {strides = array<i32>} : memref<2x128x128xi32, #tpu.memory_space<vmem>>, vector<16xi32>,
        %parallel_loop3A_534 = arith.constant 16 : i32
        %parallel_loop3A_535 = vector.broadcast %parallel_loop3A_534 : i32 to vector<16xi32>
        %parallel_loop3A_536 = arith.addi %iota3A, %parallel_loop3A_535 : vector<16xi32>
        %parallel_loop3A_537 = arith.constant 0 : i32
        %parallel_loop3A_538 = arith.constant 0 : i32
        %parallel_loop3A_539 = tpu.memref_slice %arg5[%parallel_loop3A_448, %parallel_loop3A_537, %parallel_loop3A_538] : memref<2x256x128xi32, #tpu.memory_space<vmem>> -> memref<1x256x128xi32, #tpu.memory_space<vmem>>
        %parallel_loop3A_540 = tpu.memref_squeeze %parallel_loop3A_539 : memref<1x256x128xi32, #tpu.memory_space<vmem>> -> memref<256x128xi32, #tpu.memory_space<vmem>>
        tpu.vector_store_idx %parallel_loop3A_540[%parallel_loop3A_533, %parallel_loop3A_536], %broadcast_in_dim3A_1 {add = true} : memref<256x128xi32, #tpu.memory_space<vmem>>[vector<16xi32>, vector<16xi32>], vector<16xi32>,
        %parallel_loop3A_541 = arith.constant 1 : i32
        %parallel_loop3A_542 = arith.index_cast %parallel_loop3A_541 : i32 to index
        %parallel_loop3A_543 = arith.index_cast %parallel_loop3A_516 : i32 to index
        %parallel_loop3A_544 = arith.constant 32 : index
        %parallel_loop3A_545 = tpu.vector_load %arg4[%parallel_loop3A_542, %parallel_loop3A_543, %parallel_loop3A_544] {strides = array<i32>} : memref<2x128x128xi32, #tpu.memory_space<vmem>>, vector<16xi32>,
        %parallel_loop3A_546 = arith.constant 32 : i32
        %parallel_loop3A_547 = vector.broadcast %parallel_loop3A_546 : i32 to vector<16xi32>
        %parallel_loop3A_548 = arith.addi %iota3A, %parallel_loop3A_547 : vector<16xi32>
        %parallel_loop3A_549 = arith.constant 0 : i32
        %parallel_loop3A_550 = arith.constant 0 : i32
        %parallel_loop3A_551 = tpu.memref_slice %arg5[%parallel_loop3A_448, %parallel_loop3A_549, %parallel_loop3A_550] : memref<2x256x128xi32, #tpu.memory_space<vmem>> -> memref<1x256x128xi32, #tpu.memory_space<vmem>>
        %parallel_loop3A_552 = tpu.memref_squeeze %parallel_loop3A_551 : memref<1x256x128xi32, #tpu.memory_space<vmem>> -> memref<256x128xi32, #tpu.memory_space<vmem>>
        tpu.vector_store_idx %parallel_loop3A_552[%parallel_loop3A_545, %parallel_loop3A_548], %broadcast_in_dim3A_1 {add = true} : memref<256x128xi32, #tpu.memory_space<vmem>>[vector<16xi32>, vector<16xi32>], vector<16xi32>,
        %parallel_loop3A_553 = arith.constant 1 : i32
        %parallel_loop3A_554 = arith.index_cast %parallel_loop3A_553 : i32 to index
        %parallel_loop3A_555 = arith.index_cast %parallel_loop3A_516 : i32 to index
        %parallel_loop3A_556 = arith.constant 48 : index
        %parallel_loop3A_557 = tpu.vector_load %arg4[%parallel_loop3A_554, %parallel_loop3A_555, %parallel_loop3A_556] {strides = array<i32>} : memref<2x128x128xi32, #tpu.memory_space<vmem>>, vector<16xi32>,
        %parallel_loop3A_558 = arith.constant 48 : i32
        %parallel_loop3A_559 = vector.broadcast %parallel_loop3A_558 : i32 to vector<16xi32>
        %parallel_loop3A_560 = arith.addi %iota3A, %parallel_loop3A_559 : vector<16xi32>
        %parallel_loop3A_561 = arith.constant 0 : i32
        %parallel_loop3A_562 = arith.constant 0 : i32
        %parallel_loop3A_563 = tpu.memref_slice %arg5[%parallel_loop3A_448, %parallel_loop3A_561, %parallel_loop3A_562] : memref<2x256x128xi32, #tpu.memory_space<vmem>> -> memref<1x256x128xi32, #tpu.memory_space<vmem>>
        %parallel_loop3A_564 = tpu.memref_squeeze %parallel_loop3A_563 : memref<1x256x128xi32, #tpu.memory_space<vmem>> -> memref<256x128xi32, #tpu.memory_space<vmem>>
        tpu.vector_store_idx %parallel_loop3A_564[%parallel_loop3A_557, %parallel_loop3A_560], %broadcast_in_dim3A_1 {add = true} : memref<256x128xi32, #tpu.memory_space<vmem>>[vector<16xi32>, vector<16xi32>], vector<16xi32>,
        %parallel_loop3A_565 = arith.constant 1 : i32
        %parallel_loop3A_566 = arith.index_cast %parallel_loop3A_565 : i32 to index
        %parallel_loop3A_567 = arith.index_cast %parallel_loop3A_516 : i32 to index
        %parallel_loop3A_568 = arith.constant 64 : index
        %parallel_loop3A_569 = tpu.vector_load %arg4[%parallel_loop3A_566, %parallel_loop3A_567, %parallel_loop3A_568] {strides = array<i32>} : memref<2x128x128xi32, #tpu.memory_space<vmem>>, vector<16xi32>,
        %parallel_loop3A_570 = arith.constant 64 : i32
        %parallel_loop3A_571 = vector.broadcast %parallel_loop3A_570 : i32 to vector<16xi32>
        %parallel_loop3A_572 = arith.addi %iota3A, %parallel_loop3A_571 : vector<16xi32>
        %parallel_loop3A_573 = arith.constant 0 : i32
        %parallel_loop3A_574 = arith.constant 0 : i32
        %parallel_loop3A_575 = tpu.memref_slice %arg5[%parallel_loop3A_448, %parallel_loop3A_573, %parallel_loop3A_574] : memref<2x256x128xi32, #tpu.memory_space<vmem>> -> memref<1x256x128xi32, #tpu.memory_space<vmem>>
        %parallel_loop3A_576 = tpu.memref_squeeze %parallel_loop3A_575 : memref<1x256x128xi32, #tpu.memory_space<vmem>> -> memref<256x128xi32, #tpu.memory_space<vmem>>
        tpu.vector_store_idx %parallel_loop3A_576[%parallel_loop3A_569, %parallel_loop3A_572], %broadcast_in_dim3A_1 {add = true} : memref<256x128xi32, #tpu.memory_space<vmem>>[vector<16xi32>, vector<16xi32>], vector<16xi32>,
        %parallel_loop3A_577 = arith.constant 1 : i32
        %parallel_loop3A_578 = arith.index_cast %parallel_loop3A_577 : i32 to index
        %parallel_loop3A_579 = arith.index_cast %parallel_loop3A_516 : i32 to index
        %parallel_loop3A_580 = arith.constant 80 : index
        %parallel_loop3A_581 = tpu.vector_load %arg4[%parallel_loop3A_578, %parallel_loop3A_579, %parallel_loop3A_580] {strides = array<i32>} : memref<2x128x128xi32, #tpu.memory_space<vmem>>, vector<16xi32>,
        %parallel_loop3A_582 = arith.constant 80 : i32
        %parallel_loop3A_583 = vector.broadcast %parallel_loop3A_582 : i32 to vector<16xi32>
        %parallel_loop3A_584 = arith.addi %iota3A, %parallel_loop3A_583 : vector<16xi32>
        %parallel_loop3A_585 = arith.constant 0 : i32
        %parallel_loop3A_586 = arith.constant 0 : i32
        %parallel_loop3A_587 = tpu.memref_slice %arg5[%parallel_loop3A_448, %parallel_loop3A_585, %parallel_loop3A_586] : memref<2x256x128xi32, #tpu.memory_space<vmem>> -> memref<1x256x128xi32, #tpu.memory_space<vmem>>
        %parallel_loop3A_588 = tpu.memref_squeeze %parallel_loop3A_587 : memref<1x256x128xi32, #tpu.memory_space<vmem>> -> memref<256x128xi32, #tpu.memory_space<vmem>>
        tpu.vector_store_idx %parallel_loop3A_588[%parallel_loop3A_581, %parallel_loop3A_584], %broadcast_in_dim3A_1 {add = true} : memref<256x128xi32, #tpu.memory_space<vmem>>[vector<16xi32>, vector<16xi32>], vector<16xi32>,
        %parallel_loop3A_589 = arith.constant 1 : i32
        %parallel_loop3A_590 = arith.index_cast %parallel_loop3A_589 : i32 to index
        %parallel_loop3A_591 = arith.index_cast %parallel_loop3A_516 : i32 to index
        %parallel_loop3A_592 = arith.constant 96 : index
        %parallel_loop3A_593 = tpu.vector_load %arg4[%parallel_loop3A_590, %parallel_loop3A_591, %parallel_loop3A_592] {strides = array<i32>} : memref<2x128x128xi32, #tpu.memory_space<vmem>>, vector<16xi32>,
        %parallel_loop3A_594 = arith.constant 96 : i32
        %parallel_loop3A_595 = vector.broadcast %parallel_loop3A_594 : i32 to vector<16xi32>
        %parallel_loop3A_596 = arith.addi %iota3A, %parallel_loop3A_595 : vector<16xi32>
        %parallel_loop3A_597 = arith.constant 0 : i32
        %parallel_loop3A_598 = arith.constant 0 : i32
        %parallel_loop3A_599 = tpu.memref_slice %arg5[%parallel_loop3A_448, %parallel_loop3A_597, %parallel_loop3A_598] : memref<2x256x128xi32, #tpu.memory_space<vmem>> -> memref<1x256x128xi32, #tpu.memory_space<vmem>>
        %parallel_loop3A_600 = tpu.memref_squeeze %parallel_loop3A_599 : memref<1x256x128xi32, #tpu.memory_space<vmem>> -> memref<256x128xi32, #tpu.memory_space<vmem>>
        tpu.vector_store_idx %parallel_loop3A_600[%parallel_loop3A_593, %parallel_loop3A_596], %broadcast_in_dim3A_1 {add = true} : memref<256x128xi32, #tpu.memory_space<vmem>>[vector<16xi32>, vector<16xi32>], vector<16xi32>,
        %parallel_loop3A_601 = arith.constant 1 : i32
        %parallel_loop3A_602 = arith.index_cast %parallel_loop3A_601 : i32 to index
        %parallel_loop3A_603 = arith.index_cast %parallel_loop3A_516 : i32 to index
        %parallel_loop3A_604 = arith.constant 112 : index
        %parallel_loop3A_605 = tpu.vector_load %arg4[%parallel_loop3A_602, %parallel_loop3A_603, %parallel_loop3A_604] {strides = array<i32>} : memref<2x128x128xi32, #tpu.memory_space<vmem>>, vector<16xi32>,
        %parallel_loop3A_606 = arith.constant 112 : i32
        %parallel_loop3A_607 = vector.broadcast %parallel_loop3A_606 : i32 to vector<16xi32>
        %parallel_loop3A_608 = arith.addi %iota3A, %parallel_loop3A_607 : vector<16xi32>
        %parallel_loop3A_609 = arith.constant 0 : i32
        %parallel_loop3A_610 = arith.constant 0 : i32
        %parallel_loop3A_611 = tpu.memref_slice %arg5[%parallel_loop3A_448, %parallel_loop3A_609, %parallel_loop3A_610] : memref<2x256x128xi32, #tpu.memory_space<vmem>> -> memref<1x256x128xi32, #tpu.memory_space<vmem>>
        %parallel_loop3A_612 = tpu.memref_squeeze %parallel_loop3A_611 : memref<1x256x128xi32, #tpu.memory_space<vmem>> -> memref<256x128xi32, #tpu.memory_space<vmem>>
        tpu.vector_store_idx %parallel_loop3A_612[%parallel_loop3A_605, %parallel_loop3A_608], %broadcast_in_dim3A_1 {add = true} : memref<256x128xi32, #tpu.memory_space<vmem>>[vector<16xi32>, vector<16xi32>], vector<16xi32>,
      } {sc.loop_unroll_factor = 8 : i64, sc.parallel_access}
      %add3A_449 = arith.constant 2 : i32
      %add3A_450 = arith.addi %add3A_376, %add3A_449 : i32
      %lt3A_451 = arith.constant 16 : i32
      %lt3A_452 = arith.cmpi slt, %add3A_450, %lt3A_451 : i32
      %convert_element_type3A_453 = arith.extui %lt3A_452 : i1 to i32
      %cond3A_454 = arith.constant 0 : i32
      %cond3A_455 = arith.cmpi ne, %convert_element_type3A_453, %cond3A_454 : i32
      scf.if %cond3A_455 {
        %add3A_516 = arith.constant 2 : i32
        %add3A_517 = arith.addi %add3A_376, %add3A_516 : i32
        %mul3A_518 = arith.constant 32 : i32
        %mul3A_519 = arith.muli %add3A_517, %mul3A_518 : i32
        %add3A_520 = arith.addi %mul3A_519, %add3A : i32
        %jit3A_521 = arith.constant 32 : i32
        %div3A_522 = arith.divsi %add3A_520, %jit3A_521 : i32
        %sign3A_523 = arith.constant 0 : i32
        %sign3A_524 = arith.cmpi sgt, %add3A_520, %sign3A_523 : i32
        %sign3A_525 = arith.extui %sign3A_524 : i1 to i32
        %sign3A_526 = arith.constant 0 : i32
        %sign3A_527 = arith.cmpi slt, %add3A_520, %sign3A_526 : i32
        %sign3A_528 = arith.extui %sign3A_527 : i1 to i32
        %sign3A_529 = arith.subi %sign3A_525, %sign3A_528 : i32
        %sign3A_530 = arith.constant 0 : i32
        %sign3A_531 = arith.cmpi sgt, %jit3A_521, %sign3A_530 : i32
        %sign3A_532 = arith.extui %sign3A_531 : i1 to i32
        %sign3A_533 = arith.constant 0 : i32
        %sign3A_534 = arith.cmpi slt, %jit3A_521, %sign3A_533 : i32
        %sign3A_535 = arith.extui %sign3A_534 : i1 to i32
        %sign3A_536 = arith.subi %sign3A_532, %sign3A_535 : i32
        %ne3A_537 = arith.cmpi ne, %sign3A_529, %sign3A_536 : i32
        %rem3A_538 = arith.remsi %add3A_520, %jit3A_521 : i32
        %ne3A_539 = arith.constant 0 : i32
        %ne3A_540 = arith.cmpi ne, %rem3A_538, %ne3A_539 : i32
        %and3A_541 = arith.andi %ne3A_537, %ne3A_540 : i1
        %sub3A_542 = arith.constant 1 : i32
        %sub3A_543 = arith.subi %div3A_522, %sub3A_542 : i32
        %select_n3A_544 = arith.select %and3A_541, %sub3A_543, %div3A_522 : i32
        %jit3A_545 = arith.constant 32 : i32
        %eq3A_546 = arith.constant 0 : i32
        %eq3A_547 = arith.cmpi eq, %jit3A_545, %eq3A_546 : i32
        %jit3A_548 = arith.constant 1 : i32
        %select_n3A_549 = arith.select %eq3A_547, %jit3A_548, %jit3A_545 : i32
        %rem3A_550 = arith.remsi %add3A_520, %select_n3A_549 : i32
        %ne3A_551 = arith.constant 0 : i32
        %ne3A_552 = arith.cmpi ne, %rem3A_550, %ne3A_551 : i32
        %lt3A_553 = arith.constant 0 : i32
        %lt3A_554 = arith.cmpi slt, %rem3A_550, %lt3A_553 : i32
        %lt3A_555 = arith.constant 0 : i32
        %lt3A_556 = arith.cmpi slt, %select_n3A_549, %lt3A_555 : i32
        %ne3A_557 = arith.xori %lt3A_554, %lt3A_556 : i1
        %and3A_558 = arith.andi %ne3A_557, %ne3A_552 : i1
        %add3A_559 = arith.addi %rem3A_550, %select_n3A_549 : i32
        %select_n3A_560 = arith.select %and3A_558, %add3A_559, %rem3A_550 : i32
        %dma_start3A_561 = arith.constant 1 : i32
        %dma_start3A_562 = arith.constant 0 : i32
        %dma_start3A_563 = arith.constant 0 : i32
        %dma_start3A_564 = tpu.memref_slice %arg4[%dma_start3A_561, %dma_start3A_562, %dma_start3A_563] : memref<2x128x128xi32, #tpu.memory_space<vmem>> -> memref<1x128x128xi32, #tpu.memory_space<vmem>>
        %dma_start3A_565 = tpu.memref_squeeze %dma_start3A_564 : memref<1x128x128xi32, #tpu.memory_space<vmem>> -> memref<128x128xi32, #tpu.memory_space<vmem>>
        %dma_start3A_566 = arith.constant 0 : i32
        %dma_start3A_567 = arith.constant 0 : i32
        %dma_start3A_568 = tpu.memref_slice %arg2[%select_n3A_544, %dma_start3A_566, %select_n3A_560, %dma_start3A_567] : memref<16x128x32x128xi32, #tpu.memory_space<hbm>> -> memref<1x128x1x128xi32, #tpu.memory_space<hbm>>
        %dma_start3A_569 = tpu.memref_squeeze %dma_start3A_568 : memref<1x128x1x128xi32, #tpu.memory_space<hbm>> -> memref<128x128xi32, #tpu.memory_space<hbm>>
        %dma_start3A_570 = arith.constant 0 : i32
        %dma_start3A_571 = arith.constant 0 : i32
        %dma_start3A_572 = tpu.memref_slice %arg4[%dma_start3A_561, %dma_start3A_570, %dma_start3A_571] : memref<2x128x128xi32, #tpu.memory_space<vmem>> -> memref<1x128x128xi32, #tpu.memory_space<vmem>>
        %dma_start3A_573 = tpu.memref_squeeze %dma_start3A_572 : memref<1x128x128xi32, #tpu.memory_space<vmem>> -> memref<128x128xi32, #tpu.memory_space<vmem>>
        %dma_start3A_574 = arith.constant 0 : i32
        %dma_start3A_575 = arith.constant 0 : i32
        %dma_start3A_576 = tpu.memref_slice %arg2[%select_n3A_544, %dma_start3A_574, %select_n3A_560, %dma_start3A_575] : memref<16x128x32x128xi32, #tpu.memory_space<hbm>> -> memref<1x128x1x128xi32, #tpu.memory_space<hbm>>
        %dma_start3A_577 = tpu.memref_squeeze %dma_start3A_576 : memref<1x128x1x128xi32, #tpu.memory_space<hbm>> -> memref<128x128xi32, #tpu.memory_space<hbm>>
        tpu.enqueue_dma source(%dma_start3A_577 : memref<128x128xi32, #tpu.memory_space<hbm>>) target(%dma_start3A_573 : memref<128x128xi32, #tpu.memory_space<vmem>>) target_semaphore(%arg7 : memref<!tpu.dma_semaphore, #tpu.memory_space<semaphore_mem>>)
      } else {
      }
      %mul3A_456 = arith.constant 32 : i32
      %mul3A_457 = arith.muli %add3A_376, %mul3A_456 : i32
      %add3A_458 = arith.addi %mul3A_457, %add3A : i32
      %jit3A_459 = arith.constant 32 : i32
      %div3A_460 = arith.divsi %add3A_458, %jit3A_459 : i32
      %sign3A_461 = arith.constant 0 : i32
      %sign3A_462 = arith.cmpi sgt, %add3A_458, %sign3A_461 : i32
      %sign3A_463 = arith.extui %sign3A_462 : i1 to i32
      %sign3A_464 = arith.constant 0 : i32
      %sign3A_465 = arith.cmpi slt, %add3A_458, %sign3A_464 : i32
      %sign3A_466 = arith.extui %sign3A_465 : i1 to i32
      %sign3A_467 = arith.subi %sign3A_463, %sign3A_466 : i32
      %sign3A_468 = arith.constant 0 : i32
      %sign3A_469 = arith.cmpi sgt, %jit3A_459, %sign3A_468 : i32
      %sign3A_470 = arith.extui %sign3A_469 : i1 to i32
      %sign3A_471 = arith.constant 0 : i32
      %sign3A_472 = arith.cmpi slt, %jit3A_459, %sign3A_471 : i32
      %sign3A_473 = arith.extui %sign3A_472 : i1 to i32
      %sign3A_474 = arith.subi %sign3A_470, %sign3A_473 : i32
      %ne3A_475 = arith.cmpi ne, %sign3A_467, %sign3A_474 : i32
      %rem3A_476 = arith.remsi %add3A_458, %jit3A_459 : i32
      %ne3A_477 = arith.constant 0 : i32
      %ne3A_478 = arith.cmpi ne, %rem3A_476, %ne3A_477 : i32
      %and3A_479 = arith.andi %ne3A_475, %ne3A_478 : i1
      %sub3A_480 = arith.constant 1 : i32
      %sub3A_481 = arith.subi %div3A_460, %sub3A_480 : i32
      %select_n3A_482 = arith.select %and3A_479, %sub3A_481, %div3A_460 : i32
      %jit3A_483 = arith.constant 32 : i32
      %eq3A_484 = arith.constant 0 : i32
      %eq3A_485 = arith.cmpi eq, %jit3A_483, %eq3A_484 : i32
      %jit3A_486 = arith.constant 1 : i32
      %select_n3A_487 = arith.select %eq3A_485, %jit3A_486, %jit3A_483 : i32
      %rem3A_488 = arith.remsi %add3A_458, %select_n3A_487 : i32
      %ne3A_489 = arith.constant 0 : i32
      %ne3A_490 = arith.cmpi ne, %rem3A_488, %ne3A_489 : i32
      %lt3A_491 = arith.constant 0 : i32
      %lt3A_492 = arith.cmpi slt, %rem3A_488, %lt3A_491 : i32
      %lt3A_493 = arith.constant 0 : i32
      %lt3A_494 = arith.cmpi slt, %select_n3A_487, %lt3A_493 : i32
      %ne3A_495 = arith.xori %lt3A_492, %lt3A_494 : i1
      %and3A_496 = arith.andi %ne3A_495, %ne3A_490 : i1
      %add3A_497 = arith.addi %rem3A_488, %select_n3A_487 : i32
      %select_n3A_498 = arith.select %and3A_496, %add3A_497, %rem3A_488 : i32
      %dma_start3A_499 = arith.constant 1 : i32
      %dma_start3A_500 = arith.constant 0 : i32
      %dma_start3A_501 = arith.constant 0 : i32
      %dma_start3A_502 = tpu.memref_slice %arg5[%dma_start3A_499, %dma_start3A_500, %dma_start3A_501] : memref<2x256x128xi32, #tpu.memory_space<vmem>> -> memref<1x256x128xi32, #tpu.memory_space<vmem>>
      %dma_start3A_503 = tpu.memref_squeeze %dma_start3A_502 : memref<1x256x128xi32, #tpu.memory_space<vmem>> -> memref<256x128xi32, #tpu.memory_space<vmem>>
      %dma_start3A_504 = arith.constant 0 : i32
      %dma_start3A_505 = arith.constant 0 : i32
      %dma_start3A_506 = tpu.memref_slice %arg3[%select_n3A_482, %dma_start3A_504, %select_n3A_498, %dma_start3A_505] : memref<16x256x32x128xi32, #tpu.memory_space<hbm>> -> memref<1x256x1x128xi32, #tpu.memory_space<hbm>>
      %dma_start3A_507 = tpu.memref_squeeze %dma_start3A_506 : memref<1x256x1x128xi32, #tpu.memory_space<hbm>> -> memref<256x128xi32, #tpu.memory_space<hbm>>
      %dma_start3A_508 = arith.constant 0 : i32
      %dma_start3A_509 = arith.constant 0 : i32
      %dma_start3A_510 = tpu.memref_slice %arg3[%select_n3A_482, %dma_start3A_508, %select_n3A_498, %dma_start3A_509] : memref<16x256x32x128xi32, #tpu.memory_space<hbm>> -> memref<1x256x1x128xi32, #tpu.memory_space<hbm>>
      %dma_start3A_511 = tpu.memref_squeeze %dma_start3A_510 : memref<1x256x1x128xi32, #tpu.memory_space<hbm>> -> memref<256x128xi32, #tpu.memory_space<hbm>>
      %dma_start3A_512 = arith.constant 0 : i32
      %dma_start3A_513 = arith.constant 0 : i32
      %dma_start3A_514 = tpu.memref_slice %arg5[%dma_start3A_499, %dma_start3A_512, %dma_start3A_513] : memref<2x256x128xi32, #tpu.memory_space<vmem>> -> memref<1x256x128xi32, #tpu.memory_space<vmem>>
      %dma_start3A_515 = tpu.memref_squeeze %dma_start3A_514 : memref<1x256x128xi32, #tpu.memory_space<vmem>> -> memref<256x128xi32, #tpu.memory_space<vmem>>
      tpu.enqueue_dma source(%dma_start3A_515 : memref<256x128xi32, #tpu.memory_space<vmem>>) target(%dma_start3A_511 : memref<256x128xi32, #tpu.memory_space<hbm>>) target_semaphore(%arg9 : memref<!tpu.dma_semaphore, #tpu.memory_space<semaphore_mem>>)
    }
    %scan3A_115 = arith.constant 8 : i32
    %add3A_116 = arith.constant 448 : i32
    %add3A_117 = arith.addi %add3A_116, %add3A : i32
    %jit3A_118 = arith.constant 32 : i32
    %div3A_119 = arith.divsi %add3A_117, %jit3A_118 : i32
    %sign3A_120 = arith.constant 0 : i32
    %sign3A_121 = arith.cmpi sgt, %add3A_117, %sign3A_120 : i32
    %sign3A_122 = arith.extui %sign3A_121 : i1 to i32
    %sign3A_123 = arith.constant 0 : i32
    %sign3A_124 = arith.cmpi slt, %add3A_117, %sign3A_123 : i32
    %sign3A_125 = arith.extui %sign3A_124 : i1 to i32
    %sign3A_126 = arith.subi %sign3A_122, %sign3A_125 : i32
    %sign3A_127 = arith.constant 0 : i32
    %sign3A_128 = arith.cmpi sgt, %jit3A_118, %sign3A_127 : i32
    %sign3A_129 = arith.extui %sign3A_128 : i1 to i32
    %sign3A_130 = arith.constant 0 : i32
    %sign3A_131 = arith.cmpi slt, %jit3A_118, %sign3A_130 : i32
    %sign3A_132 = arith.extui %sign3A_131 : i1 to i32
    %sign3A_133 = arith.subi %sign3A_129, %sign3A_132 : i32
    %ne3A_134 = arith.cmpi ne, %sign3A_126, %sign3A_133 : i32
    %rem3A_135 = arith.remsi %add3A_117, %jit3A_118 : i32
    %ne3A_136 = arith.constant 0 : i32
    %ne3A_137 = arith.cmpi ne, %rem3A_135, %ne3A_136 : i32
    %and3A_138 = arith.andi %ne3A_134, %ne3A_137 : i1
    %sub3A_139 = arith.constant 1 : i32
    %sub3A_140 = arith.subi %div3A_119, %sub3A_139 : i32
    %select_n3A_141 = arith.select %and3A_138, %sub3A_140, %div3A_119 : i32
    %jit3A_142 = arith.constant 32 : i32
    %eq3A_143 = arith.constant 0 : i32
    %eq3A_144 = arith.cmpi eq, %jit3A_142, %eq3A_143 : i32
    %jit3A_145 = arith.constant 1 : i32
    %select_n3A_146 = arith.select %eq3A_144, %jit3A_145, %jit3A_142 : i32
    %rem3A_147 = arith.remsi %add3A_117, %select_n3A_146 : i32
    %ne3A_148 = arith.constant 0 : i32
    %ne3A_149 = arith.cmpi ne, %rem3A_147, %ne3A_148 : i32
    %lt3A_150 = arith.constant 0 : i32
    %lt3A_151 = arith.cmpi slt, %rem3A_147, %lt3A_150 : i32
    %lt3A_152 = arith.constant 0 : i32
    %lt3A_153 = arith.cmpi slt, %select_n3A_146, %lt3A_152 : i32
    %ne3A_154 = arith.xori %lt3A_151, %lt3A_153 : i1
    %and3A_155 = arith.andi %ne3A_154, %ne3A_149 : i1
    %add3A_156 = arith.addi %rem3A_147, %select_n3A_146 : i32
    %select_n3A_157 = arith.select %and3A_155, %add3A_156, %rem3A_147 : i32
    %dma_wait3A = arith.constant 0 : i32
    %dma_wait3A_158 = arith.constant 0 : i32
    %dma_wait3A_159 = arith.constant 0 : i32
    %dma_wait3A_160 = tpu.memref_slice %arg5[%dma_wait3A, %dma_wait3A_158, %dma_wait3A_159] : memref<2x256x128xi32, #tpu.memory_space<vmem>> -> memref<1x256x128xi32, #tpu.memory_space<vmem>>
    %dma_wait3A_161 = tpu.memref_squeeze %dma_wait3A_160 : memref<1x256x128xi32, #tpu.memory_space<vmem>> -> memref<256x128xi32, #tpu.memory_space<vmem>>
    %dma_wait3A_162 = arith.constant 0 : i32
    %dma_wait3A_163 = arith.constant 0 : i32
    %dma_wait3A_164 = tpu.memref_slice %arg3[%select_n3A_141, %dma_wait3A_162, %select_n3A_157, %dma_wait3A_163] : memref<16x256x32x128xi32, #tpu.memory_space<hbm>> -> memref<1x256x1x128xi32, #tpu.memory_space<hbm>>
    %dma_wait3A_165 = tpu.memref_squeeze %dma_wait3A_164 : memref<1x256x1x128xi32, #tpu.memory_space<hbm>> -> memref<256x128xi32, #tpu.memory_space<hbm>>
    %dma_wait3A_166 = arith.constant 0 : i32
    %dma_wait3A_167 = arith.constant 0 : i32
    %dma_wait3A_168 = tpu.memref_slice %arg3[%select_n3A_141, %dma_wait3A_166, %select_n3A_157, %dma_wait3A_167] : memref<16x256x32x128xi32, #tpu.memory_space<hbm>> -> memref<1x256x1x128xi32, #tpu.memory_space<hbm>>
    %dma_wait3A_169 = tpu.memref_squeeze %dma_wait3A_168 : memref<1x256x1x128xi32, #tpu.memory_space<hbm>> -> memref<256x128xi32, #tpu.memory_space<hbm>>
    %dma_wait3A_170 = arith.constant 0 : i32
    %dma_wait3A_171 = arith.constant 0 : i32
    %dma_wait3A_172 = tpu.memref_slice %arg5[%dma_wait3A, %dma_wait3A_170, %dma_wait3A_171] : memref<2x256x128xi32, #tpu.memory_space<vmem>> -> memref<1x256x128xi32, #tpu.memory_space<vmem>>
    %dma_wait3A_173 = tpu.memref_squeeze %dma_wait3A_172 : memref<1x256x128xi32, #tpu.memory_space<vmem>> -> memref<256x128xi32, #tpu.memory_space<vmem>>
    tpu.wait_dma2 semaphore(%arg8 : memref<!tpu.dma_semaphore, #tpu.memory_space<semaphore_mem>>) src(%dma_wait3A_173 : memref<256x128xi32, #tpu.memory_space<vmem>>) dst(%dma_wait3A_169 : memref<256x128xi32, #tpu.memory_space<hbm>>)
    %add3A_174 = arith.constant 480 : i32
    %add3A_175 = arith.addi %add3A_174, %add3A : i32
    %jit3A_176 = arith.constant 32 : i32
    %div3A_177 = arith.divsi %add3A_175, %jit3A_176 : i32
    %sign3A_178 = arith.constant 0 : i32
    %sign3A_179 = arith.cmpi sgt, %add3A_175, %sign3A_178 : i32
    %sign3A_180 = arith.extui %sign3A_179 : i1 to i32
    %sign3A_181 = arith.constant 0 : i32
    %sign3A_182 = arith.cmpi slt, %add3A_175, %sign3A_181 : i32
    %sign3A_183 = arith.extui %sign3A_182 : i1 to i32
    %sign3A_184 = arith.subi %sign3A_180, %sign3A_183 : i32
    %sign3A_185 = arith.constant 0 : i32
    %sign3A_186 = arith.cmpi sgt, %jit3A_176, %sign3A_185 : i32
    %sign3A_187 = arith.extui %sign3A_186 : i1 to i32
    %sign3A_188 = arith.constant 0 : i32
    %sign3A_189 = arith.cmpi slt, %jit3A_176, %sign3A_188 : i32
    %sign3A_190 = arith.extui %sign3A_189 : i1 to i32
    %sign3A_191 = arith.subi %sign3A_187, %sign3A_190 : i32
    %ne3A_192 = arith.cmpi ne, %sign3A_184, %sign3A_191 : i32
    %rem3A_193 = arith.remsi %add3A_175, %jit3A_176 : i32
    %ne3A_194 = arith.constant 0 : i32
    %ne3A_195 = arith.cmpi ne, %rem3A_193, %ne3A_194 : i32
    %and3A_196 = arith.andi %ne3A_192, %ne3A_195 : i1
    %sub3A_197 = arith.constant 1 : i32
    %sub3A_198 = arith.subi %div3A_177, %sub3A_197 : i32
    %select_n3A_199 = arith.select %and3A_196, %sub3A_198, %div3A_177 : i32
    %jit3A_200 = arith.constant 32 : i32
    %eq3A_201 = arith.constant 0 : i32
    %eq3A_202 = arith.cmpi eq, %jit3A_200, %eq3A_201 : i32
    %jit3A_203 = arith.constant 1 : i32
    %select_n3A_204 = arith.select %eq3A_202, %jit3A_203, %jit3A_200 : i32
    %rem3A_205 = arith.remsi %add3A_175, %select_n3A_204 : i32
    %ne3A_206 = arith.constant 0 : i32
    %ne3A_207 = arith.cmpi ne, %rem3A_205, %ne3A_206 : i32
    %lt3A_208 = arith.constant 0 : i32
    %lt3A_209 = arith.cmpi slt, %rem3A_205, %lt3A_208 : i32
    %lt3A_210 = arith.constant 0 : i32
    %lt3A_211 = arith.cmpi slt, %select_n3A_204, %lt3A_210 : i32
    %ne3A_212 = arith.xori %lt3A_209, %lt3A_211 : i1
    %and3A_213 = arith.andi %ne3A_212, %ne3A_207 : i1
    %add3A_214 = arith.addi %rem3A_205, %select_n3A_204 : i32
    %select_n3A_215 = arith.select %and3A_213, %add3A_214, %rem3A_205 : i32
    %dma_wait3A_216 = arith.constant 1 : i32
    %dma_wait3A_217 = arith.constant 0 : i32
    %dma_wait3A_218 = arith.constant 0 : i32
    %dma_wait3A_219 = tpu.memref_slice %arg5[%dma_wait3A_216, %dma_wait3A_217, %dma_wait3A_218] : memref<2x256x128xi32, #tpu.memory_space<vmem>> -> memref<1x256x128xi32, #tpu.memory_space<vmem>>
    %dma_wait3A_220 = tpu.memref_squeeze %dma_wait3A_219 : memref<1x256x128xi32, #tpu.memory_space<vmem>> -> memref<256x128xi32, #tpu.memory_space<vmem>>
    %dma_wait3A_221 = arith.constant 0 : i32
    %dma_wait3A_222 = arith.constant 0 : i32
    %dma_wait3A_223 = tpu.memref_slice %arg3[%select_n3A_199, %dma_wait3A_221, %select_n3A_215, %dma_wait3A_222] : memref<16x256x32x128xi32, #tpu.memory_space<hbm>> -> memref<1x256x1x128xi32, #tpu.memory_space<hbm>>
    %dma_wait3A_224 = tpu.memref_squeeze %dma_wait3A_223 : memref<1x256x1x128xi32, #tpu.memory_space<hbm>> -> memref<256x128xi32, #tpu.memory_space<hbm>>
    %dma_wait3A_225 = arith.constant 0 : i32
    %dma_wait3A_226 = arith.constant 0 : i32
    %dma_wait3A_227 = tpu.memref_slice %arg3[%select_n3A_199, %dma_wait3A_225, %select_n3A_215, %dma_wait3A_226] : memref<16x256x32x128xi32, #tpu.memory_space<hbm>> -> memref<1x256x1x128xi32, #tpu.memory_space<hbm>>
    %dma_wait3A_228 = tpu.memref_squeeze %dma_wait3A_227 : memref<1x256x1x128xi32, #tpu.memory_space<hbm>> -> memref<256x128xi32, #tpu.memory_space<hbm>>
    %dma_wait3A_229 = arith.constant 0 : i32
    %dma_wait3A_230 = arith.constant 0 : i32
    %dma_wait3A_231 = tpu.memref_slice %arg5[%dma_wait3A_216, %dma_wait3A_229, %dma_wait3A_230] : memref<2x256x128xi32, #tpu.memory_space<vmem>> -> memref<1x256x128xi32, #tpu.memory_space<vmem>>
    %dma_wait3A_232 = tpu.memref_squeeze %dma_wait3A_231 : memref<1x256x128xi32, #tpu.memory_space<vmem>> -> memref<256x128xi32, #tpu.memory_space<vmem>>
    tpu.wait_dma2 semaphore(%arg9 : memref<!tpu.dma_semaphore, #tpu.memory_space<semaphore_mem>>) src(%dma_wait3A_232 : memref<256x128xi32, #tpu.memory_space<vmem>>) dst(%dma_wait3A_228 : memref<256x128xi32, #tpu.memory_space<hbm>>)
    return
  }
}

</mosaic_0001>

<sc_bundles>
// kernel: kernel.3.cloned.1.call-start
scs
__scs_entry_jumppad:
0x0: {  	(pc) =	sbr.rel $0x88, $3  }
0x1: {  	(tag) =	ssettag $0x0;
	lr =	simm.s32 $0x1  }
0x2: {  	[smem:$0x3FA0] =	sst lr;
	_ =	strace $0xD0000000  }
0x3: {  	_ = 	snop  }
0x4: {  	_ = 	snop  }
0x5: {  	_ = 	snop  }
0x6: {  	_ = 	snop  }
0x7: {  	_ = 	snop  }
__scs_overlays_trampoline_lowered:
0x8: {  	[smem:$0x3FAF] =	sst s0  }
0x9: {  	[smem:$0x3FB0] =	sst s1  }
0xa: {  	[smem:$0x3FB1] =	sst s2  }
0xb: {  	[smem:$0x3FB2] =	sst s3  }
0xc: {  	[smem:$0x3FB3] =	sst s4  }
0xd: {  	[smem:$0x3FB4] =	sst s5  }
0xe: {  	[smem:$0x3FB5] =	sst s6  }
0xf: {  	[smem:$0x3FB6] =	sst s7  }
0x10: {  	[smem:$0x3FB7] =	sst s8  }
0x11: {  	[smem:$0x3FB8] =	sst s9;
	s0 =	simm.s32 @!p0 $0x0  }
0x12: {  	s1 =	sld [smem:$0x3F9E];
	s0 =	simm.s32 @p0 $0x1  }
0x13: {  	[smem:$0x3FB9] =	sst s0;
	s0 =	simm.s32 @!p1 $0x0  }
0x14: {  	s2 =	sld [smem:$0x3F9D];
	s0 =	simm.s32 @p1 $0x1  }
0x15: {  	[smem:$0x3FBA] =	sst s0;
	s0 =	simm.s32 @!p2 $0x0  }
0x16: {  	s3 =	sld [smem:$0x3FDB];
	s0 =	simm.s32 @p2 $0x1  }
0x17: {  	s4 =	simm.s32 $0x1BF5;
	[smem:$0x3FBC] =	sst s0  }
0x18: {  	s0 =	sld [smem:$0x3F9F];
	_ =	swait.ge [sflag:s4], $0x0  }
0x19: {  	s7 =	sld [smem:$0x3FA0]  }
0x1a: {  	s8 =	sadd.s32 $0xFFFFE003, lr  }
0x1b: {  	s9 =	sadd.s32 $0xFFFFFEF7, lr;
	s5 =	simm.s32 $0xFFFFFFFF;
	p2 =	slt.u32 s8, $0xFFFFF086  }
0x1c: {  	p1 =	slt.u32 s9, $0xF7A;
	s5 =	simm.s32 @!p2 $0x0  }
0x1d: {  	s5 =	simm.s32 @p1 $0x1;
	p0 =	seq.s32 s7, s2  }
0x1e: {  	s7 =	smul.u32 @!p0 $0xF7A, s2;
	p2 =	seq.s32 @!p0 s5, $0x0  }
0x1f: {  	s9 =	smul.u32 $0xF7A, s1;
	s8 =	simm.s32 @!p0 $0x1BF5;
	p2 =	por !p2, p0  }
0x20: {  	[sflag:s8] =	ssyncset.s32 @!p0 $0xFFFFF086;
	s6 =	sadd.s32 @!p0 s3, s7;
	s7 =	simm.s32 @!p0 $0x108  }
0x21: {  	s3 =	sadd.s32 s3, s9;
	s6 =	sadd.s32 @!p0 $0x88, s6;
	s7 =	simm.s32 @p2 $0x1082  }
0x22: {  	[simem:s7], [sflag:s8] =	dma.local @!p0 [hbm:s6], $0xF7A  }
0x23: {  	s9 =	sor.u32 $0xD0000000, s2;
	s6 =	simm.s32 $0x108;
	_ =	swait.ge @!p0 [sflag:s8], $0x0  }
0x24: {  	s3 =	sadd.s32 $0x88, s3;
	s6 =	simm.s32 @!p1 $0x1082;
	[sflag:s4] =	ssyncset.s32 $0xFFFFF086  }
0x25: {  	[simem:s6], [sflag:s4] =	dma.local [hbm:s3], $0xF7A  }
0x26: {  	[smem:$0x3FA0] =	sst s1;
	(tag) =	ssettag s2;
	_ =	strace s9  }
0x27: {  	s1 =	sld [smem:$0x3FB0]  }
0x28: {  	s2 =	sld [smem:$0x3FB1]  }
0x29: {  	s4 =	sld [smem:$0x3FB3]  }
0x2a: {  	p0 =	seq.s32 s5, $0x0;
	s5 =	sld [smem:$0x3FB4]  }
0x2b: {  	s6 =	sld [smem:$0x3FB5]  }
0x2c: {  	s7 =	sld [smem:$0x3FB6]  }
0x2d: {  	s3 =	simm.s32 $0x108;
	s8 =	sld [smem:$0x3FB7]  }
0x2e: {  	s3 =	simm.s32 @!p0 $0x1082;
	s9 =	sld [smem:$0x3FB8]  }
0x2f: {  	lr =	sadd.s32 s0, s3;
	s0 =	sld [smem:$0x3FAF]  }
0x30: {  	s3 =	sld [smem:$0x3FB2]  }
0x31: {  	[smem:$0x3FBB] =	sst s10  }
0x32: {  	s10 =	sld [smem:$0x3FB9];
	_ =	sdelay $0x3  }
0x33: {  	p0 =	seq.s32 s10, $0x1;
	s10 =	sld [smem:$0x3FBB];
	_ =	sdelay $0x3  }
0x34: {  	[smem:$0x3FBB] =	sst s10  }
0x35: {  	s10 =	sld [smem:$0x3FBA];
	_ =	sdelay $0x3  }
0x36: {  	p1 =	seq.s32 s10, $0x1;
	s10 =	sld [smem:$0x3FBB];
	_ =	sdelay $0x3  }
0x37: {  	[smem:$0x3FBB] =	sst s10  }
0x38: {  	s10 =	sld [smem:$0x3FBC]  }
0x39: {  	_ = 	snop;
	(pc) =	sbr.ind lr, $3  }
0x3a: {  	_ = 	snop  }
0x3b: {  	_ = 	snop  }
0x3c: {  	p2 =	seq.s32 s10, $0x1;
	s10 =	sld [smem:$0x3FBB]  }
0x3d: {  	_ =	shalt  }
0x3e: {  	_ =	shalt  }
0x3f: {  	_ =	shalt  }
0x40: {  	_ =	shalt  }
0x41: {  	_ =	shalt  }
0x42: {  	_ =	shalt  }
0x43: {  	_ =	shalt  }
0x44: {  	_ =	shalt  }
0x45: {  	_ =	shalt  }
0x46: {  	_ =	shalt  }
0x47: {  	_ =	shalt  }
0x48: {  	_ =	shalt  }
0x49: {  	_ =	shalt  }
0x4a: {  	_ =	shalt  }
0x4b: {  	_ =	shalt  }
0x4c: {  	_ =	shalt  }
0x4d: {  	_ =	shalt  }
0x4e: {  	_ =	shalt  }
0x4f: {  	_ =	shalt  }
0x50: {  	_ =	shalt  }
0x51: {  	_ =	shalt  }
0x52: {  	_ =	shalt  }
0x53: {  	_ =	shalt  }
0x54: {  	_ =	shalt  }
0x55: {  	_ =	shalt  }
0x56: {  	_ =	shalt  }
0x57: {  	_ =	shalt  }
0x58: {  	_ =	shalt  }
0x59: {  	_ =	shalt  }
0x5a: {  	_ =	shalt  }
0x5b: {  	_ =	shalt  }
0x5c: {  	_ =	shalt  }
0x5d: {  	_ =	shalt  }
0x5e: {  	_ =	shalt  }
0x5f: {  	_ =	shalt  }
0x60: {  	_ =	shalt  }
0x61: {  	_ =	shalt  }
0x62: {  	_ =	shalt  }
0x63: {  	_ =	shalt  }
0x64: {  	_ =	shalt  }
0x65: {  	_ =	shalt  }
0x66: {  	_ =	shalt  }
0x67: {  	_ =	shalt  }
0x68: {  	_ =	shalt  }
0x69: {  	_ =	shalt  }
0x6a: {  	_ =	shalt  }
0x6b: {  	_ =	shalt  }
0x6c: {  	_ =	shalt  }
0x6d: {  	_ =	shalt  }
0x6e: {  	_ =	shalt  }
0x6f: {  	_ =	shalt  }
0x70: {  	_ =	shalt  }
0x71: {  	_ =	shalt  }
0x72: {  	_ =	shalt  }
0x73: {  	_ =	shalt  }
0x74: {  	_ =	shalt  }
0x75: {  	_ =	shalt  }
0x76: {  	_ =	shalt  }
0x77: {  	_ =	shalt  }
0x78: {  	_ =	shalt  }
0x79: {  	_ =	shalt  }
0x7a: {  	_ =	shalt  }
0x7b: {  	_ =	shalt  }
0x7c: {  	_ =	shalt  }
0x7d: {  	_ =	shalt  }
0x7e: {  	_ =	shalt  }
0x7f: {  	_ =	shalt  }
0x80: {  	_ =	shalt  }
0x81: {  	_ =	shalt  }
0x82: {  	_ =	shalt  }
0x83: {  	_ =	shalt  }
0x84: {  	_ =	shalt  }
0x85: {  	_ =	shalt  }
0x86: {  	_ =	shalt  }
0x87: {  	_ =	shalt  }
.Lfunc_end0:
.L_simem_size_0:
called_computation.2_lowered:
.L_overlay_start_0:
0x88: {  	s2 =	sld [smem:$0x3FD9]  }
0x89: {  	s3 =	sld [smem:$0x3FFE];
	_ =	sdelay $0x1  }
0x8a: {  	s1 =	srdreg.scid  }
0x8b: {  	s0 =	sand.u32 $0x1, s1  }
0x8c: {  	s17 =	sshll.u32 s0, $0xA;
	s2 =	sadd.s32 s3, s2  }
0x8d: {  	s2 =	sadd.s32 s2, s17  }
0x8e: {  	[smem:$0x3FC7] =	sst s2  }
0x8f: {  	_ = 	snop  }
0x90: {  	s2 =	sld [smem:$0x3FD0];
	(tm) =	ssettm $0x1  }
0x91: {  	s18 =	sld [smem:$0x3FFB];
	_ =	sdelay $0x3  }
0x92: {  	_ =	strace s18  }
0x93: {  	s3 =	sld [smem:$0x3FFC];
	_ =	sdelay $0x3  }
0x94: {  	_ =	strace s3  }
0x95: {  	s3 =	sld [smem:$0x3FFD];
	_ =	sdelay $0x3  }
0x96: {  	_ =	strace s3  }
0x97: {  	_ =	strace $0x8FFFFFFF  }
0x98: {  	s19 =	sld [smem:$0x3FDB];
	_ =	sdelay $0x1  }
0x99: {  	s4 =	simm.s32 $_scs_section_size  }
0x9a: {  	s5 =	simm.s32 $_size__tile_overlayer_lowered;
	s6 =	simm.s32 $_tile_overlayer_lowered  }
0x9b: {  	s22 =	simm.s32 $0x1BFF;
	s21 =	sshll.u32 s6, $0x1;
	s3 =	sadd.s32 s4, s19  }
0x9c: {  	s7 =	simm.s32 $0x0;
	s20 =	sshll.u32 s5, $0x1;
	s5 =	sadd.s32 s21, s3  }
0x9d: {  	[timem:s7], [sflag:s22] =	dma.local [hbm:s5], s20  }
0x9e: {  	_ =	swait.ge [sflag:s22], s20  }
0x9f: {  	s4 =	ssub.s32 $0x0, s20;
	[sflag:s22] =	ssyncset.done $0x0  }
0xa0: {  	[sflag:s22] =	ssyncadd.s32 s4;
	_ =	sdelay $0x1  }
0xa1: {  	s23 =	simm.s32 $0x1B8B  }
0xa2: {  	_ =	swait.ge [sflag:s23], $0x1  }
0xa3: {  	[sflag:s23] =	ssyncset.done $0x0  }
0xa4: {  	s25 =	simm.s32 $0x1B8E;
	s24 =	sld [smem:$0x3FFE];
	[sflag:s23] =	ssyncadd.s32 $0xFFFFFFFF  }
0xa5: {  	s26 =	simm.s32 $execute0_lowered;
	[smem:$0x3FD2] =	sst s25  }
0xa6: {  	s5 =	sshll.u32 s26, $0x1;
	_ =	strace $0x80000049;
	[dreg:$0x1] =	wrdreg $0xFFFFFFFF  }
0xa7: {  	s28 =	simm.s32 $_size_execute0_lowered;
	s3 =	sadd.s32 s3, s5;
	[dreg:$0x0] =	wrdreg $0x0  }
0xa8: {  	s5 =	sshll.u32 s28, $0x1;
	[dreg:$0x2] =	wrdreg s3  }
0xa9: {  	[dreg:$0x3] =	wrdreg s5  }
0xaa: {  	[dreg:$0x4] =	wrdreg $0xC0  }
0xab: {  	_ =	task [dreg:s7], $0x5FFFF  }
0xac: {  	[dreg:$0x1] =	wrdreg $0xFFFFFFFF  }
0xad: {  	[dreg:$0x0] =	wrdreg $0x60  }
0xae: {  	[dreg:$0x2] =	wrdreg s2  }
0xaf: {  	[dreg:$0x3] =	wrdreg s24  }
0xb0: {  	[dreg:$0x4] =	wrdreg $0x9  }
0xb1: {  	_ =	task.clear_ibuf [dreg:s7], $0x5FFFF;
	_ =	strace $0x90000049  }
0xb2: {  	s29 =	simm.s32 $0x9;
	_ =	strace $0x8000004B  }
0xb3: {  	_ =	swait.ge [sflag:s29], $0x1  }
0xb4: {  	[sflag:s29] =	ssyncadd.s32 $0xFFFFFFFF  }
0xb5: {  	_ =	strace $0x9000004B  }
0xb6: {  	_ =	sfence  }
0xb7: {  	s30 =	sld [smem:$0x0];
	_ =	sdelay $0x2  }
0xb8: {  	s31 =	sshll.u32 s1, $0xD;
	s1 =	sshrl.u32 s1, $0x2  }
0xb9: {  	s3 =	sand.u32 $0x4000, s31;
	s1 =	sadd.s32 s1, s30  }
0xba: {  	s0 =	sor.u32 s3, s0;
	s1 =	sshll.u32 s1, $0x11  }
0xbb: {  	s0 =	sor.u32 s1, s0  }
0xbc: {  	s0 =	sadd.s32 $0x8F2B, s0  }
0xbd: {  	[sflag:s0] =	ssyncadd.remote.s32 $0x1  }
0xbe: {  	_ =	sfence.sel $0xFFFF  }
0xbf: {  	[dreg:$0x0] =	wrdreg $0xFFFFFFFF;
	(pc) =	sbr.abs _section_cstart, $3  }
0xc0: {  	[dreg:$0x1] =	wrdreg $0xFFFFFFFF  }
0xc1: {  	_ =	task.clear_ibuf [dreg:s7], $0x2FFFF;
	_ =	strace $0x9FFFFFFF  }
0xc2: {  	(tm) =	ssettm $0x7FFFFFFF  }
0xc3: {  	_ =	shalt  }
tec
execute0_lowered:
.L_overlay_start_1:
0x0: {  	(tag) =	ssettag $0x1  }
0x1: {  	s5 =	rddreg [dreg:$0x0]  }
0x2: {  	s4 =	rddreg [dreg:$0x1]  }
0x3: {  	s0 =	rddreg [dreg:$0x2]  }
0x4: {  	s3 =	srdreg.scid;
	s1 =	stileid.u32  }
0x5: {  	s2 =	simm.s32 $0x0;
	s12 =	simm.s32 $0x80;
	s13 =	simm.s32 $0x1000  }
0x6: {  	s14 =	simm.s32 $0x4000;
	s15 =	simm.s32 $0x1;
	s16 =	simm.s32 $0x8000  }
0x7: {  	s17 =	simm.s32 $0x2;
	s18 =	simm.s32 $0x10000;
	s19 =	simm.s32 $0x3  }
0x8: {  	s20 =	simm.s32 $0x4;
	s21 =	simm.s32 $0x0;
	s3 =	sand.u32 $0x1, s3  }
0x9: {  	s6 =	sshll.u32 s1, $0x1;
	[smem:$0x7FF] =	sst s2;
	s4 =	sadd.s32 $0xC00, s4  }
0xa: {  	s7 =	ssub.s32 $0x2, s3;
	s3 =	sor.u32 s3, s6;
	_ =	strace $0x8000004A  }
0xb: {  	v0 =	vlaneseq.u32;
	s31 =	sshrl.u32 s7, $0x1;
	s8 =	sshll.u32 s3, $0x4;
	p0 =	sne.s32 s3, $0x0  }
0xc: {  	v1 =	vimm.s32 $0x0;
	v2 =	vimm.s32 $0x1;
	v3 =	vor.u32 $0x10, v0;
	s11 =	ssub.s32 s7, s31;
	s5 =	sadd.s32 s5, s8;
	s10 =	sadd.s32 s8, s4  }
0xd: {  	v4 =	vor.u32 $0x20, v0;
	v5 =	vor.u32 $0x30, v0;
	v6 =	vor.u32 $0x40, v0;
	s8 =	sshll.u32 s3, $0x7;
	s6 =	sadd.s32 $0x10000, s5;
	s7 =	sadd.s32 $0x20000, s5  }
0xe: {  	v7 =	vor.u32 $0x50, v0;
	v8 =	vor.u32 $0x60, v0;
	v9 =	vor.u32 $0x70, v0;
	s9 =	sadd.s32 $0x30000, s5;
	s10 =	sadd.s32 $0x20000, s10;
	s11 =	smax.u32 s11, $0x1  }
.LBB2_1:
0xf: {  	[tilespmem:s2], [sflag:$0x1] =	stream.strided.gather [hbm4b:s5+s12], $0x4000, s13, s12, $0x38;
	[tilespmem:$0x18000] =	vst v63  }
0x10: {  	s22 =	simm.s32 $0x0  }
0x11: {  	[tilespmem:s14], [sflag:$0x2] =	stream.strided.gather [hbm4b:s6+s12], $0x4000, s13, s12, $0x38;
	[tilespmem:$0x18000] =	vst v63  }
.LBB2_2:
0x12: {  	p1 =	seq.s32 s22, $0x0  }
0x13: {  	s23 =	simm.s32 @!p1 $0x3  }
0x14: {  	_ =	swait.ge @!p1 [sflag:s23], $0x8000  }
0x15: {  	[sflag:s23] =	ssyncset.done @!p1 $0x0  }
0x16: {  	s25 =	simm.s32 $0x8100;
	[sflag:s23] =	ssyncadd.s32 @!p1 $0xFFFF8000  }
0x17: {  	[tilespmem:s25+$0xFFFFFF00] =	vst v1  }
0x18: {  	[tilespmem:s25+$0xF0] =	vst v1  }
0x19: {  	[tilespmem:s25+$0xE0] =	vst v1  }
0x1a: {  	[tilespmem:s25+$0xD0] =	vst v1  }
0x1b: {  	[tilespmem:s25+$0xC0] =	vst v1  }
0x1c: {  	[tilespmem:s25+$0xB0] =	vst v1  }
0x1d: {  	[tilespmem:s25+$0xA0] =	vst v1  }
0x1e: {  	[tilespmem:s25+$0x90] =	vst v1  }
0x1f: {  	[tilespmem:s25+$0x80] =	vst v1  }
0x20: {  	[tilespmem:s25+$0x70] =	vst v1  }
0x21: {  	[tilespmem:s25+$0x60] =	vst v1  }
0x22: {  	[tilespmem:s25+$0x50] =	vst v1  }
0x23: {  	[tilespmem:s25+$0x40] =	vst v1  }
0x24: {  	[tilespmem:s25+$0x30] =	vst v1  }
0x25: {  	[tilespmem:s25+$0x20] =	vst v1  }
0x26: {  	[tilespmem:s25+$0x10] =	vst v1  }
0x27: {  	[tilespmem:s25+$0x0] =	vst v1  }
0x28: {  	[tilespmem:s25+$0xFFFFFFF0] =	vst v1  }
0x29: {  	[tilespmem:s25+$0xFFFFFFE0] =	vst v1  }
0x2a: {  	[tilespmem:s25+$0xFFFFFFD0] =	vst v1  }
0x2b: {  	[tilespmem:s25+$0xFFFFFFC0] =	vst v1  }
0x2c: {  	[tilespmem:s25+$0xFFFFFFB0] =	vst v1  }
0x2d: {  	[tilespmem:s25+$0xFFFFFFA0] =	vst v1  }
0x2e: {  	[tilespmem:s25+$0xFFFFFF90] =	vst v1  }
0x2f: {  	[tilespmem:s25+$0xFFFFFF80] =	vst v1  }
0x30: {  	[tilespmem:s25+$0xFFFFFF70] =	vst v1  }
0x31: {  	s31 =	sor.u32 s3, s22;
	[tilespmem:s25+$0xFFFFFF60] =	vst v1  }
0x32: {  	p2 =	seq.s32 s31, $0x0;
	[tilespmem:s25+$0xFFFFFF50] =	vst v1  }
0x33: {  	p2 =	por !p0, !p2;
	[tilespmem:s25+$0xFFFFFF40] =	vst v1  }
0x34: {  	s24 =	simm.s32 $0xFFFFFFFF;
	p2 =	por !p2, !p2;
	[tilespmem:s25+$0xFFFFFF30] =	vst v1  }
0x35: {  	s26 =	simm.s32 $0x0;
	s24 =	simm.s32 @!p2 $0x0;
	s23 =	sshll.u32 s22, $0x11;
	[tilespmem:s25+$0xFFFFFF20] =	vst v1  }
.LBB2_3:
0x36: {  	s26 =	sadd.s32 $0x4, s26;
	[tilespmem:s25+$0xFFFFFF10] =	vst v1;
	s25 =	sadd.s32 $0x200, s25  }
0x37: {  	[tilespmem:s25+$0xFFFFFF00] =	vst v1;
	p2 =	slt.u32 s26, $0xFC  }
0x38: {  	[tilespmem:s25+$0xF0] =	vst v1  }
0x39: {  	[tilespmem:s25+$0xE0] =	vst v1  }
0x3a: {  	[tilespmem:s25+$0xD0] =	vst v1  }
0x3b: {  	[tilespmem:s25+$0xC0] =	vst v1  }
0x3c: {  	[tilespmem:s25+$0xB0] =	vst v1  }
0x3d: {  	[tilespmem:s25+$0xA0] =	vst v1  }
0x3e: {  	[tilespmem:s25+$0x90] =	vst v1  }
0x3f: {  	[tilespmem:s25+$0x80] =	vst v1  }
0x40: {  	[tilespmem:s25+$0x70] =	vst v1  }
0x41: {  	[tilespmem:s25+$0x60] =	vst v1  }
0x42: {  	[tilespmem:s25+$0x50] =	vst v1  }
0x43: {  	[tilespmem:s25+$0x40] =	vst v1  }
0x44: {  	[tilespmem:s25+$0x30] =	vst v1  }
0x45: {  	[tilespmem:s25+$0x20] =	vst v1  }
0x46: {  	[tilespmem:s25+$0x10] =	vst v1  }
0x47: {  	[tilespmem:s25+$0x0] =	vst v1  }
0x48: {  	[tilespmem:s25+$0xFFFFFFF0] =	vst v1  }
0x49: {  	[tilespmem:s25+$0xFFFFFFE0] =	vst v1  }
0x4a: {  	[tilespmem:s25+$0xFFFFFFD0] =	vst v1  }
0x4b: {  	[tilespmem:s25+$0xFFFFFFC0] =	vst v1  }
0x4c: {  	[tilespmem:s25+$0xFFFFFFB0] =	vst v1  }
0x4d: {  	[tilespmem:s25+$0xFFFFFFA0] =	vst v1  }
0x4e: {  	[tilespmem:s25+$0xFFFFFF90] =	vst v1  }
0x4f: {  	[tilespmem:s25+$0xFFFFFF80] =	vst v1  }
0x50: {  	[tilespmem:s25+$0xFFFFFF70] =	vst v1  }
.Ltmp0:
0x51: {  	[tilespmem:s25+$0xFFFFFF60] =	vst v1;
	(pc) =	sbr.rel @p2 .LBB2_3-.Ltmp0, $4  }
0x52: {  	[tilespmem:s25+$0xFFFFFF50] =	vst v1  }
0x53: {  	[tilespmem:s25+$0xFFFFFF40] =	vst v1  }
0x54: {  	[tilespmem:s25+$0xFFFFFF30] =	vst v1  }
0x55: {  	[tilespmem:s25+$0xFFFFFF20] =	vst v1  }
0x56: {  	[tilespmem:s25+$0xFFFFFF10] =	vst v1  }
0x57: {  	_ =	swait.ge [sflag:s15], $0x4000  }
0x58: {  	[sflag:s15] =	ssyncset.done $0x0  }
0x59: {  	s25 =	simm.s32 $0x200;
	[sflag:s15] =	ssyncadd.s32 $0xFFFFC000  }
0x5a: {  	v10 =	vld [tilespmem:s25+$0x180];
	_ =	sdelay $0x4  }
0x5b: {  	v11 =	vld [tilespmem:s25+$0xFFFFFE80];
	v10 =	vshll.u32 v10, $0x7  }
0x5c: {  	v12 =	vld [tilespmem:s25+$0xFFFFFF00];
	v10 =	vor.u32 v0, v10  }
0x5d: {  	v13 =	vld [tilespmem:s25+$0xFFFFFF80];
	_ =	sdelay $0x1  }
0x5e: {  	v14 =	vld [tilespmem:s25+$0xFFFFFE00]  }
0x5f: {  	v11 =	vshll.u32 v11, $0x7  }
0x60: {  	[tilespmem:v10+s16+$0x0] =	vst.idx.add.s32.msk $0xffff, v2;
	v10 =	vor.u32 v0, v11;
	v11 =	vshll.u32 v12, $0x7  }
0x61: {  	v15 =	vld [tilespmem:s25+$0x0];
	v13 =	vshll.u32 v13, $0x7;
	v11 =	vor.u32 v0, v11  }
0x62: {  	v13 =	vor.u32 v0, v13  }
0x63: {  	v14 =	vshll.u32 v14, $0x7;
	v12 =	vld [tilespmem:s25+$0x190]  }
0x64: {  	v16 =	vld [tilespmem:s25+$0x80];
	v14 =	vor.u32 v0, v14  }
0x65: {  	v17 =	vld [tilespmem:s25+$0x100]  }
0x66: {  	[tilespmem:v11+s16+$0x0] =	vst.idx.add.s32.msk $0xffff, v2;
	v11 =	vshll.u32 v15, $0x7  }
0x67: {  	[tilespmem:v13+s16+$0x0] =	vst.idx.add.s32.msk $0xffff, v2;
	v11 =	vor.u32 v0, v11  }
0x68: {  	[tilespmem:v10+s16+$0x0] =	vst.idx.add.s32.msk $0xffff, v2;
	v10 =	vshll.u32 v12, $0x7  }
0x69: {  	[tilespmem:v14+s16+$0x0] =	vst.idx.add.s32.msk $0xffff, v2;
	v10 =	vor.u32 v3, v10  }
0x6a: {  	v12 =	vshll.u32 v16, $0x7;
	v14 =	vld [tilespmem:s25+$0xFFFFFE90]  }
0x6b: {  	v13 =	vld [tilespmem:s25+$0xFFFFFE10];
	v12 =	vor.u32 v0, v12  }
0x6c: {  	v15 =	vshll.u32 v17, $0x7;
	[tilespmem:v11+s16+$0x0] =	vst.idx.add.s32.msk $0xffff, v2  }
0x6d: {  	v11 =	vor.u32 v0, v15;
	v15 =	vld [tilespmem:s25+$0xFFFFFF10]  }
0x6e: {  	[tilespmem:v10+s16+$0x0] =	vst.idx.add.s32.msk $0xffff, v2  }
0x6f: {  	v14 =	vshll.u32 v14, $0x7;
	v10 =	vld [tilespmem:s25+$0x1A0]  }
0x70: {  	[tilespmem:v12+s16+$0x0] =	vst.idx.add.s32.msk $0xffff, v2;
	v14 =	vor.u32 v3, v14  }
0x71: {  	v12 =	vshll.u32 v13, $0x7;
	v13 =	vld [tilespmem:s25+$0xFFFFFF90]  }
0x72: {  	v12 =	vor.u32 v3, v12;
	[tilespmem:v11+s16+$0x0] =	vst.idx.add.s32.msk $0xffff, v2;
	v11 =	vshll.u32 v15, $0x7  }
0x73: {  	v16 =	vld [tilespmem:s25+$0x10];
	v11 =	vor.u32 v3, v11  }
0x74: {  	v17 =	vld [tilespmem:s25+$0x90];
	v10 =	vshll.u32 v10, $0x7  }
0x75: {  	[tilespmem:v14+s16+$0x0] =	vst.idx.add.s32.msk $0xffff, v2;
	v10 =	vor.u32 v4, v10  }
0x76: {  	v13 =	vshll.u32 v13, $0x7;
	v15 =	vld [tilespmem:s25+$0x110]  }
0x77: {  	[tilespmem:v12+s16+$0x0] =	vst.idx.add.s32.msk $0xffff, v2;
	v12 =	vor.u32 v3, v13  }
0x78: {  	v13 =	vshll.u32 v16, $0x7;
	[tilespmem:v11+s16+$0x0] =	vst.idx.add.s32.msk $0xffff, v2  }
0x79: {  	v13 =	vor.u32 v3, v13;
	v11 =	vld [tilespmem:s25+$0xFFFFFE20]  }
0x7a: {  	v14 =	vshll.u32 v17, $0x7;
	[tilespmem:v10+s16+$0x0] =	vst.idx.add.s32.msk $0xffff, v2  }
0x7b: {  	v10 =	vor.u32 v3, v14;
	v14 =	vld [tilespmem:s25+$0x1B0]  }
0x7c: {  	[tilespmem:v12+s16+$0x0] =	vst.idx.add.s32.msk $0xffff, v2  }
0x7d: {  	v12 =	vld [tilespmem:s25+$0xFFFFFEA0]  }
0x7e: {  	[tilespmem:v13+s16+$0x0] =	vst.idx.add.s32.msk $0xffff, v2;
	v13 =	vshll.u32 v15, $0x7  }
0x7f: {  	v13 =	vor.u32 v3, v13;
	v16 =	vld [tilespmem:s25+$0x20];
	v11 =	vshll.u32 v11, $0x7  }
0x80: {  	[tilespmem:v10+s16+$0x0] =	vst.idx.add.s32.msk $0xffff, v2;
	v11 =	vor.u32 v4, v11;
	v10 =	vshll.u32 v14, $0x7  }
0x81: {  	v15 =	vld [tilespmem:s25+$0xFFFFFFA0];
	v10 =	vor.u32 v5, v10  }
0x82: {  	v14 =	vld [tilespmem:s25+$0xFFFFFF20]  }
0x83: {  	v17 =	vld [tilespmem:s25+$0xA0]  }
0x84: {  	[tilespmem:v13+s16+$0x0] =	vst.idx.add.s32.msk $0xffff, v2  }
0x85: {  	v16 =	vshll.u32 v16, $0x7;
	[tilespmem:v11+s16+$0x0] =	vst.idx.add.s32.msk $0xffff, v2  }
0x86: {  	v12 =	vshll.u32 v12, $0x7;
	v11 =	vor.u32 v4, v16;
	[tilespmem:v10+s16+$0x0] =	vst.idx.add.s32.msk $0xffff, v2  }
0x87: {  	v10 =	vor.u32 v4, v12;
	v12 =	vshll.u32 v14, $0x7;
	v14 =	vld [tilespmem:s25+$0x1C0]  }
0x88: {  	v13 =	vshll.u32 v15, $0x7;
	v15 =	vld [tilespmem:s25+$0x120];
	v12 =	vor.u32 v4, v12;
	_ =	sdelay $0x1  }
0x89: {  	v13 =	vor.u32 v4, v13;
	v16 =	vshll.u32 v17, $0x7;
	v17 =	vld [tilespmem:s25+$0xFFFFFE30]  }
0x8a: {  	v16 =	vor.u32 v4, v16;
	[tilespmem:v11+s16+$0x0] =	vst.idx.add.s32.msk $0xffff, v2  }
0x8b: {  	[tilespmem:v10+s16+$0x0] =	vst.idx.add.s32.msk $0xffff, v2;
	v10 =	vshll.u32 v14, $0x7  }
0x8c: {  	[tilespmem:v12+s16+$0x0] =	vst.idx.add.s32.msk $0xffff, v2;
	v12 =	vshll.u32 v15, $0x7;
	v10 =	vor.u32 v6, v10  }
0x8d: {  	v11 =	vld [tilespmem:s25+$0xFFFFFEB0];
	v12 =	vor.u32 v4, v12  }
0x8e: {  	[tilespmem:v13+s16+$0x0] =	vst.idx.add.s32.msk $0xffff, v2  }
0x8f: {  	[tilespmem:v16+s16+$0x0] =	vst.idx.add.s32.msk $0xffff, v2  }
0x90: {  	v15 =	vld [tilespmem:s25+$0x30]  }
0x91: {  	v13 =	vshll.u32 v17, $0x7;
	[tilespmem:v10+s16+$0x0] =	vst.idx.add.s32.msk $0xffff, v2  }
0x92: {  	v11 =	vshll.u32 v11, $0x7;
	[tilespmem:v12+s16+$0x0] =	vst.idx.add.s32.msk $0xffff, v2;
	v12 =	vor.u32 v5, v13  }
0x93: {  	v13 =	vld [tilespmem:s25+$0xFFFFFF30];
	v11 =	vor.u32 v5, v11  }
0x94: {  	v10 =	vld [tilespmem:s25+$0x1D0]  }
0x95: {  	v14 =	vld [tilespmem:s25+$0xFFFFFFB0]  }
0x96: {  	v16 =	vld [tilespmem:s25+$0xB0]  }
0x97: {  	v15 =	vshll.u32 v15, $0x7;
	[tilespmem:v12+s16+$0x0] =	vst.idx.add.s32.msk $0xffff, v2  }
0x98: {  	v12 =	vshll.u32 v13, $0x7;
	[tilespmem:v11+s16+$0x0] =	vst.idx.add.s32.msk $0xffff, v2;
	v11 =	vor.u32 v5, v15  }
0x99: {  	v10 =	vshll.u32 v10, $0x7;
	v12 =	vor.u32 v5, v12  }
0x9a: {  	v17 =	vld [tilespmem:s25+$0x130];
	v10 =	vor.u32 v7, v10  }
0x9b: {  	v14 =	vshll.u32 v14, $0x7;
	v13 =	vld [tilespmem:s25+$0xFFFFFE40]  }
0x9c: {  	v14 =	vor.u32 v5, v14;
	v15 =	vshll.u32 v16, $0x7;
	v16 =	vld [tilespmem:s25+$0xFFFFFEC0]  }
0x9d: {  	v15 =	vor.u32 v5, v15;
	[tilespmem:v11+s16+$0x0] =	vst.idx.add.s32.msk $0xffff, v2  }
0x9e: {  	[tilespmem:v12+s16+$0x0] =	vst.idx.add.s32.msk $0xffff, v2  }
0x9f: {  	v12 =	vshll.u32 v17, $0x7;
	[tilespmem:v10+s16+$0x0] =	vst.idx.add.s32.msk $0xffff, v2  }
0xa0: {  	v11 =	vor.u32 v5, v12;
	v10 =	vld [tilespmem:s25+$0x1E0]  }
0xa1: {  	[tilespmem:v14+s16+$0x0] =	vst.idx.add.s32.msk $0xffff, v2  }
0xa2: {  	[tilespmem:v15+s16+$0x0] =	vst.idx.add.s32.msk $0xffff, v2  }
0xa3: {  	v13 =	vshll.u32 v13, $0x7;
	v15 =	vshll.u32 v16, $0x7;
	v16 =	vld [tilespmem:s25+$0x40]  }
0xa4: {  	v12 =	vld [tilespmem:s25+$0xFFFFFF40];
	v13 =	vor.u32 v6, v13  }
0xa5: {  	[tilespmem:v11+s16+$0x0] =	vst.idx.add.s32.msk $0xffff, v2;
	v10 =	vshll.u32 v10, $0x7  }
0xa6: {  	v11 =	vld [tilespmem:s25+$0x140];
	v10 =	vor.u32 v8, v10  }
0xa7: {  	v14 =	vld [tilespmem:s25+$0xFFFFFFC0];
	v15 =	vor.u32 v6, v15  }
0xa8: {  	v17 =	vld [tilespmem:s25+$0xC0]  }
0xa9: {  	[tilespmem:v13+s16+$0x0] =	vst.idx.add.s32.msk $0xffff, v2;
	v13 =	vshll.u32 v16, $0x7  }
0xaa: {  	v12 =	vshll.u32 v12, $0x7;
	v13 =	vor.u32 v6, v13  }
0xab: {  	v11 =	vshll.u32 v11, $0x7;
	[tilespmem:v10+s16+$0x0] =	vst.idx.add.s32.msk $0xffff, v2;
	v10 =	vor.u32 v6, v12  }
0xac: {  	[tilespmem:v15+s16+$0x0] =	vst.idx.add.s32.msk $0xffff, v2;
	v12 =	vshll.u32 v14, $0x7;
	v11 =	vor.u32 v6, v11  }
0xad: {  	v15 =	vld [tilespmem:s25+$0xFFFFFE50];
	v12 =	vor.u32 v6, v12  }
0xae: {  	v16 =	vld [tilespmem:s25+$0xFFFFFED0];
	v14 =	vshll.u32 v17, $0x7  }
0xaf: {  	[tilespmem:v13+s16+$0x0] =	vst.idx.add.s32.msk $0xffff, v2;
	v14 =	vor.u32 v6, v14  }
0xb0: {  	[tilespmem:v10+s16+$0x0] =	vst.idx.add.s32.msk $0xffff, v2  }
0xb1: {  	[tilespmem:v11+s16+$0x0] =	vst.idx.add.s32.msk $0xffff, v2  }
0xb2: {  	[tilespmem:v12+s16+$0x0] =	vst.idx.add.s32.msk $0xffff, v2  }
0xb3: {  	v10 =	vld [tilespmem:s25+$0xFFFFFF50]  }
0xb4: {  	[tilespmem:v14+s16+$0x0] =	vst.idx.add.s32.msk $0xffff, v2;
	v12 =	vshll.u32 v15, $0x7  }
0xb5: {  	v11 =	vor.u32 v7, v12;
	v12 =	vshll.u32 v16, $0x7;
	v13 =	vld [tilespmem:s25+$0xFFFFFFD0]  }
0xb6: {  	v14 =	vld [tilespmem:s25+$0x50];
	v12 =	vor.u32 v7, v12  }
0xb7: {  	v15 =	vld [tilespmem:s25+$0xD0]  }
0xb8: {  	v17 =	vld [tilespmem:s25+$0x1F0];
	v10 =	vshll.u32 v10, $0x7  }
0xb9: {  	v16 =	vld [tilespmem:s25+$0x150];
	v10 =	vor.u32 v7, v10  }
0xba: {  	[tilespmem:v11+s16+$0x0] =	vst.idx.add.s32.msk $0xffff, v2;
	v11 =	vshll.u32 v13, $0x7  }
0xbb: {  	[tilespmem:v12+s16+$0x0] =	vst.idx.add.s32.msk $0xffff, v2;
	v11 =	vor.u32 v7, v11;
	v12 =	vshll.u32 v14, $0x7  }
0xbc: {  	v13 =	vld [tilespmem:s25+$0xFFFFFE60];
	v14 =	vshll.u32 v15, $0x7;
	v12 =	vor.u32 v7, v12  }
0xbd: {  	v15 =	vld [tilespmem:s25+$0xFFFFFEE0];
	v14 =	vor.u32 v7, v14  }
0xbe: {  	v16 =	vshll.u32 v16, $0x7;
	[tilespmem:v10+s16+$0x0] =	vst.idx.add.s32.msk $0xffff, v2  }
0xbf: {  	v10 =	vor.u32 v7, v16;
	v16 =	vld [tilespmem:s25+$0xFFFFFF60]  }
0xc0: {  	[tilespmem:v11+s16+$0x0] =	vst.idx.add.s32.msk $0xffff, v2  }
0xc1: {  	[tilespmem:v12+s16+$0x0] =	vst.idx.add.s32.msk $0xffff, v2  }
0xc2: {  	v11 =	vshll.u32 v17, $0x7;
	[tilespmem:v14+s16+$0x0] =	vst.idx.add.s32.msk $0xffff, v2  }
0xc3: {  	v11 =	vor.u32 v9, v11;
	v12 =	vshll.u32 v13, $0x7;
	v13 =	vld [tilespmem:s25+$0xFFFFFFE0]  }
0xc4: {  	[tilespmem:v10+s16+$0x0] =	vst.idx.add.s32.msk $0xffff, v2;
	v10 =	vor.u32 v8, v12;
	v12 =	vshll.u32 v15, $0x7  }
0xc5: {  	v15 =	vld [tilespmem:s25+$0x60];
	v12 =	vor.u32 v8, v12  }
0xc6: {  	v14 =	vshll.u32 v16, $0x7;
	v16 =	vld [tilespmem:s25+$0xE0]  }
0xc7: {  	v17 =	vld [tilespmem:s25+$0x160];
	v14 =	vor.u32 v8, v14  }
0xc8: {  	[tilespmem:v11+s16+$0x0] =	vst.idx.add.s32.msk $0xffff, v2  }
0xc9: {  	[tilespmem:v10+s16+$0x0] =	vst.idx.add.s32.msk $0xffff, v2;
	v10 =	vshll.u32 v13, $0x7  }
0xca: {  	v11 =	vshll.u32 v15, $0x7;
	[tilespmem:v12+s16+$0x0] =	vst.idx.add.s32.msk $0xffff, v2;
	v10 =	vor.u32 v8, v10  }
0xcb: {  	v11 =	vor.u32 v8, v11;
	v12 =	vshll.u32 v16, $0x7;
	v13 =	vld [tilespmem:s25+$0xFFFFFE70]  }
0xcc: {  	[tilespmem:v14+s16+$0x0] =	vst.idx.add.s32.msk $0xffff, v2;
	v12 =	vor.u32 v8, v12  }
0xcd: {  	v14 =	vshll.u32 v17, $0x7;
	v15 =	vld [tilespmem:s25+$0xFFFFFEF0]  }
0xce: {  	v14 =	vor.u32 v8, v14;
	v16 =	vld [tilespmem:s25+$0xFFFFFF70]  }
0xcf: {  	[tilespmem:v10+s16+$0x0] =	vst.idx.add.s32.msk $0xffff, v2  }
0xd0: {  	[tilespmem:v11+s16+$0x0] =	vst.idx.add.s32.msk $0xffff, v2  }
0xd1: {  	[tilespmem:v12+s16+$0x0] =	vst.idx.add.s32.msk $0xffff, v2  }
0xd2: {  	v11 =	vld [tilespmem:s25+$0xFFFFFFF0]  }
0xd3: {  	v10 =	vshll.u32 v13, $0x7;
	v12 =	vshll.u32 v15, $0x7;
	[tilespmem:v14+s16+$0x0] =	vst.idx.add.s32.msk $0xffff, v2;
	v13 =	vshll.u32 v16, $0x7  }
0xd4: {  	s26 =	simm.s32 $0x0;
	s28 =	simm.s32 $0x600;
	v10 =	vor.u32 v9, v10;
	v14 =	vor.u32 v9, v12;
	v12 =	vld [tilespmem:s25+$0x70];
	v15 =	vor.u32 v9, v13  }
.LBB2_5:
0xd5: {  	v16 =	vld [tilespmem:s28+$0x180];
	s26 =	sadd.s32 $0x8, s26  }
0xd6: {  	v17 =	vld [tilespmem:s28+$0xFFFFFE80];
	p2 =	slt.u32 s26, $0x78  }
0xd7: {  	v18 =	vld [tilespmem:s28+$0xFFFFFF00]  }
0xd8: {  	v19 =	vld [tilespmem:s28+$0xFFFFFF80];
	v11 =	vshll.u32 v11, $0x7  }
0xd9: {  	v20 =	vld [tilespmem:s28+$0x0];
	v13 =	vor.u32 v9, v11;
	v11 =	vshll.u32 v12, $0x7  }
0xda: {  	v21 =	vld [tilespmem:s28+$0x80];
	v16 =	vshll.u32 v16, $0x7;
	v12 =	vor.u32 v9, v11  }
0xdb: {  	v11 =	vshll.u32 v17, $0x7;
	v17 =	vld [tilespmem:s28+$0x100];
	v16 =	vor.u32 v0, v16  }
0xdc: {  	v22 =	vld [tilespmem:s28+$0xFFFFFE00];
	v11 =	vor.u32 v0, v11;
	v18 =	vshll.u32 v18, $0x7  }
0xdd: {  	v18 =	vor.u32 v0, v18;
	v19 =	vshll.u32 v19, $0x7;
	v23 =	vld [tilespmem:s25+$0xF0]  }
0xde: {  	v19 =	vor.u32 v0, v19;
	v20 =	vshll.u32 v20, $0x7;
	v24 =	vld [tilespmem:s25+$0x170];
	s25 =	smov.u32 s28  }
0xdf: {  	v20 =	vor.u32 v0, v20;
	v21 =	vshll.u32 v21, $0x7;
	[tilespmem:v10+s16+$0x0] =	vst.idx.add.s32.msk $0xffff, v2  }
0xe0: {  	v21 =	vor.u32 v0, v21;
	v10 =	vshll.u32 v17, $0x7;
	[tilespmem:v16+s16+$0x0] =	vst.idx.add.s32.msk $0xffff, v2  }
0xe1: {  	v16 =	vshll.u32 v22, $0x7;
	v17 =	vor.u32 v0, v10;
	v22 =	vld [tilespmem:s28+$0x190]  }
0xe2: {  	v16 =	vor.u32 v0, v16;
	[tilespmem:v11+s16+$0x0] =	vst.idx.add.s32.msk $0xffff, v2;
	v10 =	vshll.u32 v23, $0x7  }
0xe3: {  	[tilespmem:v18+s16+$0x0] =	vst.idx.add.s32.msk $0xffff, v2;
	v11 =	vor.u32 v9, v10;
	v10 =	vshll.u32 v24, $0x7  }
0xe4: {  	[tilespmem:v19+s16+$0x0] =	vst.idx.add.s32.msk $0xffff, v2;
	v10 =	vor.u32 v9, v10  }
0xe5: {  	[tilespmem:v20+s16+$0x0] =	vst.idx.add.s32.msk $0xffff, v2  }
0xe6: {  	[tilespmem:v21+s16+$0x0] =	vst.idx.add.s32.msk $0xffff, v2;
	v18 =	vshll.u32 v22, $0x7  }
0xe7: {  	[tilespmem:v16+s16+$0x0] =	vst.idx.add.s32.msk $0xffff, v2;
	v16 =	vor.u32 v3, v18  }
0xe8: {  	[tilespmem:v17+s16+$0x0] =	vst.idx.add.s32.msk $0xffff, v2  }
0xe9: {  	v17 =	vld [tilespmem:s28+$0xFFFFFE10]  }
0xea: {  	v18 =	vld [tilespmem:s28+$0xFFFFFE90]  }
0xeb: {  	v19 =	vld [tilespmem:s28+$0xFFFFFF10]  }
0xec: {  	[tilespmem:v16+s16+$0x0] =	vst.idx.add.s32.msk $0xffff, v2  }
0xed: {  	v16 =	vld [tilespmem:s28+$0x1A0]  }
0xee: {  	v17 =	vshll.u32 v17, $0x7;
	v20 =	vld [tilespmem:s28+$0xFFFFFF90]  }
0xef: {  	v17 =	vor.u32 v3, v17;
	v18 =	vshll.u32 v18, $0x7;
	v21 =	vld [tilespmem:s28+$0x10]  }
0xf0: {  	v18 =	vor.u32 v3, v18;
	v19 =	vshll.u32 v19, $0x7;
	v22 =	vld [tilespmem:s28+$0x90]  }
0xf1: {  	v19 =	vor.u32 v3, v19;
	v23 =	vld [tilespmem:s28+$0x110]  }
0xf2: {  	v16 =	vshll.u32 v16, $0x7;
	[tilespmem:v14+s16+$0x0] =	vst.idx.add.s32.msk $0xffff, v2  }
0xf3: {  	v14 =	vshll.u32 v20, $0x7;
	v16 =	vor.u32 v4, v16;
	[tilespmem:v15+s16+$0x0] =	vst.idx.add.s32.msk $0xffff, v2  }
0xf4: {  	[tilespmem:v17+s16+$0x0] =	vst.idx.add.s32.msk $0xffff, v2;
	v14 =	vor.u32 v3, v14;
	v15 =	vshll.u32 v21, $0x7  }
0xf5: {  	[tilespmem:v18+s16+$0x0] =	vst.idx.add.s32.msk $0xffff, v2;
	v15 =	vor.u32 v3, v15;
	v17 =	vshll.u32 v22, $0x7  }
0xf6: {  	[tilespmem:v19+s16+$0x0] =	vst.idx.add.s32.msk $0xffff, v2;
	v17 =	vor.u32 v3, v17;
	v18 =	vshll.u32 v23, $0x7  }
0xf7: {  	v19 =	vld [tilespmem:s28+$0xFFFFFE20];
	v18 =	vor.u32 v3, v18  }
0xf8: {  	[tilespmem:v16+s16+$0x0] =	vst.idx.add.s32.msk $0xffff, v2  }
0xf9: {  	v16 =	vld [tilespmem:s28+$0x1B0]  }
0xfa: {  	[tilespmem:v14+s16+$0x0] =	vst.idx.add.s32.msk $0xffff, v2  }
0xfb: {  	[tilespmem:v15+s16+$0x0] =	vst.idx.add.s32.msk $0xffff, v2  }
0xfc: {  	v14 =	vshll.u32 v19, $0x7;
	[tilespmem:v17+s16+$0x0] =	vst.idx.add.s32.msk $0xffff, v2  }
0xfd: {  	v14 =	vor.u32 v4, v14;
	[tilespmem:v18+s16+$0x0] =	vst.idx.add.s32.msk $0xffff, v2  }
0xfe: {  	v15 =	vld [tilespmem:s28+$0xFFFFFEA0];
	v16 =	vshll.u32 v16, $0x7  }
0xff: {  	v17 =	vld [tilespmem:s28+$0xFFFFFF20];
	v16 =	vor.u32 v5, v16  }
0x100: {  	v18 =	vld [tilespmem:s28+$0xFFFFFFA0]  }
0x101: {  	v19 =	vld [tilespmem:s28+$0x20]  }
0x102: {  	v20 =	vld [tilespmem:s28+$0xA0]  }
0x103: {  	v15 =	vshll.u32 v15, $0x7;
	v21 =	vld [tilespmem:s28+$0x120]  }
0x104: {  	v15 =	vor.u32 v4, v15;
	v17 =	vshll.u32 v17, $0x7;
	[tilespmem:v16+s16+$0x0] =	vst.idx.add.s32.msk $0xffff, v2  }
0x105: {  	v16 =	vor.u32 v4, v17;
	v17 =	vshll.u32 v18, $0x7;
	v18 =	vld [tilespmem:s28+$0x1C0]  }
0x106: {  	[tilespmem:v14+s16+$0x0] =	vst.idx.add.s32.msk $0xffff, v2;
	v14 =	vor.u32 v4, v17;
	v17 =	vshll.u32 v19, $0x7  }
0x107: {  	v19 =	vld [tilespmem:s28+$0xFFFFFE30];
	v17 =	vor.u32 v4, v17;
	v20 =	vshll.u32 v20, $0x7  }
0x108: {  	v20 =	vor.u32 v4, v20;
	v21 =	vshll.u32 v21, $0x7;
	[tilespmem:v13+s16+$0x0] =	vst.idx.add.s32.msk $0xffff, v2  }
0x109: {  	[tilespmem:v15+s16+$0x0] =	vst.idx.add.s32.msk $0xffff, v2;
	v13 =	vor.u32 v4, v21  }
0x10a: {  	[tilespmem:v16+s16+$0x0] =	vst.idx.add.s32.msk $0xffff, v2;
	v15 =	vshll.u32 v18, $0x7  }
0x10b: {  	[tilespmem:v14+s16+$0x0] =	vst.idx.add.s32.msk $0xffff, v2;
	v14 =	vor.u32 v6, v15  }
0x10c: {  	v15 =	vshll.u32 v19, $0x7;
	[tilespmem:v17+s16+$0x0] =	vst.idx.add.s32.msk $0xffff, v2  }
0x10d: {  	v15 =	vor.u32 v5, v15;
	[tilespmem:v20+s16+$0x0] =	vst.idx.add.s32.msk $0xffff, v2  }
0x10e: {  	[tilespmem:v13+s16+$0x0] =	vst.idx.add.s32.msk $0xffff, v2  }
0x10f: {  	v13 =	vld [tilespmem:s28+$0xFFFFFEB0]  }
0x110: {  	[tilespmem:v14+s16+$0x0] =	vst.idx.add.s32.msk $0xffff, v2  }
0x111: {  	v14 =	vld [tilespmem:s28+$0x1D0]  }
0x112: {  	v16 =	vld [tilespmem:s28+$0xFFFFFF30]  }
0x113: {  	v17 =	vld [tilespmem:s28+$0xFFFFFFB0]  }
0x114: {  	v13 =	vshll.u32 v13, $0x7;
	v18 =	vld [tilespmem:s28+$0x30]  }
0x115: {  	v13 =	vor.u32 v5, v13;
	v19 =	vld [tilespmem:s28+$0xB0]  }
0x116: {  	v20 =	vld [tilespmem:s28+$0x130];
	v14 =	vshll.u32 v14, $0x7  }
0x117: {  	[tilespmem:v15+s16+$0x0] =	vst.idx.add.s32.msk $0xffff, v2;
	v15 =	vshll.u32 v16, $0x7;
	v14 =	vor.u32 v7, v14  }
0x118: {  	v16 =	vld [tilespmem:s28+$0xFFFFFE40];
	v15 =	vor.u32 v5, v15;
	v17 =	vshll.u32 v17, $0x7  }
0x119: {  	v17 =	vor.u32 v5, v17;
	v18 =	vshll.u32 v18, $0x7;
	[tilespmem:v12+s16+$0x0] =	vst.idx.add.s32.msk $0xffff, v2  }
0x11a: {  	[tilespmem:v13+s16+$0x0] =	vst.idx.add.s32.msk $0xffff, v2;
	v12 =	vor.u32 v5, v18;
	v13 =	vshll.u32 v19, $0x7  }
0x11b: {  	v18 =	vld [tilespmem:s28+$0xFFFFFEC0];
	v13 =	vor.u32 v5, v13;
	v19 =	vshll.u32 v20, $0x7  }
0x11c: {  	v19 =	vor.u32 v5, v19;
	[tilespmem:v14+s16+$0x0] =	vst.idx.add.s32.msk $0xffff, v2  }
0x11d: {  	v14 =	vshll.u32 v16, $0x7;
	v16 =	vld [tilespmem:s28+$0x1E0]  }
0x11e: {  	v14 =	vor.u32 v6, v14;
	[tilespmem:v15+s16+$0x0] =	vst.idx.add.s32.msk $0xffff, v2  }
0x11f: {  	[tilespmem:v17+s16+$0x0] =	vst.idx.add.s32.msk $0xffff, v2  }
0x120: {  	v15 =	vshll.u32 v18, $0x7;
	[tilespmem:v12+s16+$0x0] =	vst.idx.add.s32.msk $0xffff, v2  }
0x121: {  	v12 =	vor.u32 v6, v15;
	[tilespmem:v13+s16+$0x0] =	vst.idx.add.s32.msk $0xffff, v2  }
0x122: {  	[tilespmem:v19+s16+$0x0] =	vst.idx.add.s32.msk $0xffff, v2;
	v13 =	vshll.u32 v16, $0x7  }
0x123: {  	v15 =	vld [tilespmem:s28+$0xFFFFFF40];
	v13 =	vor.u32 v8, v13  }
0x124: {  	v16 =	vld [tilespmem:s28+$0xFFFFFFC0]  }
0x125: {  	v17 =	vld [tilespmem:s28+$0x40]  }
0x126: {  	v18 =	vld [tilespmem:s28+$0xC0]  }
0x127: {  	v19 =	vld [tilespmem:s28+$0x140]  }
0x128: {  	v15 =	vshll.u32 v15, $0x7;
	[tilespmem:v13+s16+$0x0] =	vst.idx.add.s32.msk $0xffff, v2  }
0x129: {  	v13 =	vor.u32 v6, v15;
	v15 =	vshll.u32 v16, $0x7;
	v16 =	vld [tilespmem:s28+$0x1F0]  }
0x12a: {  	[tilespmem:v14+s16+$0x0] =	vst.idx.add.s32.msk $0xffff, v2;
	v14 =	vor.u32 v6, v15;
	v15 =	vshll.u32 v17, $0x7  }
0x12b: {  	[tilespmem:v12+s16+$0x0] =	vst.idx.add.s32.msk $0xffff, v2;
	v12 =	vor.u32 v6, v15;
	v15 =	vshll.u32 v18, $0x7  }
0x12c: {  	v17 =	vld [tilespmem:s28+$0xFFFFFE50];
	v15 =	vor.u32 v6, v15;
	v18 =	vshll.u32 v19, $0x7  }
0x12d: {  	v19 =	vld [tilespmem:s28+$0xFFFFFED0];
	v18 =	vor.u32 v6, v18  }
0x12e: {  	[tilespmem:v13+s16+$0x0] =	vst.idx.add.s32.msk $0xffff, v2;
	v13 =	vshll.u32 v16, $0x7  }
0x12f: {  	[tilespmem:v14+s16+$0x0] =	vst.idx.add.s32.msk $0xffff, v2;
	v13 =	vor.u32 v9, v13  }
0x130: {  	[tilespmem:v12+s16+$0x0] =	vst.idx.add.s32.msk $0xffff, v2  }
0x131: {  	v12 =	vshll.u32 v17, $0x7;
	[tilespmem:v15+s16+$0x0] =	vst.idx.add.s32.msk $0xffff, v2  }
0x132: {  	v12 =	vor.u32 v7, v12;
	v14 =	vshll.u32 v19, $0x7;
	[tilespmem:v18+s16+$0x0] =	vst.idx.add.s32.msk $0xffff, v2  }
0x133: {  	v14 =	vor.u32 v7, v14;
	v15 =	vld [tilespmem:s28+$0xFFFFFF50]  }
0x134: {  	[tilespmem:v13+s16+$0x0] =	vst.idx.add.s32.msk $0xffff, v2  }
0x135: {  	v13 =	vld [tilespmem:s28+$0xFFFFFFD0]  }
0x136: {  	v16 =	vld [tilespmem:s28+$0x50]  }
0x137: {  	v17 =	vld [tilespmem:s28+$0xD0]  }
0x138: {  	v15 =	vshll.u32 v15, $0x7;
	v18 =	vld [tilespmem:s28+$0x150]  }
0x139: {  	[tilespmem:v12+s16+$0x0] =	vst.idx.add.s32.msk $0xffff, v2;
	v12 =	vor.u32 v7, v15  }
0x13a: {  	[tilespmem:v14+s16+$0x0] =	vst.idx.add.s32.msk $0xffff, v2;
	v13 =	vshll.u32 v13, $0x7  }
0x13b: {  	v14 =	vld [tilespmem:s28+$0xFFFFFE60];
	v13 =	vor.u32 v7, v13;
	v15 =	vshll.u32 v16, $0x7  }
0x13c: {  	v16 =	vld [tilespmem:s28+$0xFFFFFEE0];
	v15 =	vor.u32 v7, v15;
	v17 =	vshll.u32 v17, $0x7  }
0x13d: {  	v17 =	vor.u32 v7, v17;
	v18 =	vshll.u32 v18, $0x7;
	[tilespmem:v11+s16+$0x0] =	vst.idx.add.s32.msk $0xffff, v2  }
0x13e: {  	[tilespmem:v12+s16+$0x0] =	vst.idx.add.s32.msk $0xffff, v2;
	v11 =	vor.u32 v7, v18  }
0x13f: {  	v12 =	vld [tilespmem:s28+$0xFFFFFF60]  }
0x140: {  	v14 =	vshll.u32 v14, $0x7;
	[tilespmem:v13+s16+$0x0] =	vst.idx.add.s32.msk $0xffff, v2  }
0x141: {  	v13 =	vor.u32 v8, v14;
	v14 =	vshll.u32 v16, $0x7;
	[tilespmem:v15+s16+$0x0] =	vst.idx.add.s32.msk $0xffff, v2  }
0x142: {  	v14 =	vor.u32 v8, v14;
	[tilespmem:v17+s16+$0x0] =	vst.idx.add.s32.msk $0xffff, v2  }
0x143: {  	[tilespmem:v11+s16+$0x0] =	vst.idx.add.s32.msk $0xffff, v2  }
0x144: {  	v11 =	vshll.u32 v12, $0x7;
	v12 =	vld [tilespmem:s28+$0xFFFFFFE0]  }
0x145: {  	v11 =	vor.u32 v8, v11;
	v15 =	vld [tilespmem:s28+$0x60]  }
0x146: {  	v16 =	vld [tilespmem:s28+$0xE0]  }
0x147: {  	v17 =	vld [tilespmem:s28+$0x160]  }
0x148: {  	[tilespmem:v13+s16+$0x0] =	vst.idx.add.s32.msk $0xffff, v2  }
0x149: {  	[tilespmem:v14+s16+$0x0] =	vst.idx.add.s32.msk $0xffff, v2;
	v12 =	vshll.u32 v12, $0x7  }
0x14a: {  	[tilespmem:v11+s16+$0x0] =	vst.idx.add.s32.msk $0xffff, v2;
	v11 =	vor.u32 v8, v12;
	v12 =	vshll.u32 v15, $0x7  }
0x14b: {  	v13 =	vld [tilespmem:s28+$0xFFFFFE70];
	v12 =	vor.u32 v8, v12;
	v14 =	vshll.u32 v16, $0x7  }
0x14c: {  	v15 =	vld [tilespmem:s28+$0xFFFFFEF0];
	v14 =	vor.u32 v8, v14;
	v16 =	vshll.u32 v17, $0x7  }
0x14d: {  	v17 =	vld [tilespmem:s28+$0xFFFFFF70];
	v16 =	vor.u32 v8, v16  }
0x14e: {  	[tilespmem:v10+s16+$0x0] =	vst.idx.add.s32.msk $0xffff, v2  }
0x14f: {  	[tilespmem:v11+s16+$0x0] =	vst.idx.add.s32.msk $0xffff, v2  }
.Ltmp1:
0x150: {  	v10 =	vshll.u32 v13, $0x7;
	[tilespmem:v12+s16+$0x0] =	vst.idx.add.s32.msk $0xffff, v2;
	(pc) =	sbr.rel @p2 .LBB2_5-.Ltmp1, $4  }
0x151: {  	v10 =	vor.u32 v9, v10;
	v11 =	vshll.u32 v15, $0x7;
	[tilespmem:v14+s16+$0x0] =	vst.idx.add.s32.msk $0xffff, v2  }
0x152: {  	v14 =	vor.u32 v9, v11;
	v11 =	vshll.u32 v17, $0x7;
	[tilespmem:v16+s16+$0x0] =	vst.idx.add.s32.msk $0xffff, v2  }
0x153: {  	v15 =	vor.u32 v9, v11;
	v11 =	vld [tilespmem:s28+$0xFFFFFFF0]  }
0x154: {  	s28 =	sadd.s32 $0x400, s28;
	v12 =	vld [tilespmem:s25+$0x70]  }
0x155: {  	v13 =	vld [tilespmem:s25+$0xF0]  }
0x156: {  	v16 =	vld [tilespmem:s25+$0x170];
	_ =	sdelay $0x1  }
0x157: {  	v11 =	vshll.u32 v11, $0x7  }
0x158: {  	v11 =	vor.u32 v9, v11;
	v12 =	vshll.u32 v12, $0x7  }
0x159: {  	v12 =	vor.u32 v9, v12;
	v13 =	vshll.u32 v13, $0x7  }
0x15a: {  	[tilespmem:v10+s16+$0x0] =	vst.idx.add.s32.msk $0xffff, v2;
	v63 =	vshll.u32 v16, $0x7;
	v10 =	vor.u32 v9, v13  }
0x15b: {  	[tilespmem:v14+s16+$0x0] =	vst.idx.add.s32.msk $0xffff, v2;
	v13 =	vor.u32 v9, v63  }
0x15c: {  	[tilespmem:v15+s16+$0x0] =	vst.idx.add.s32.msk $0xffff, v2  }
0x15d: {  	s31 =	sshll.u32 s22, $0x15;
	s24 =	sshll.u32 s24, $0x14;
	[tilespmem:v11+s16+$0x0] =	vst.idx.add.s32.msk $0xffff, v2  }
0x15e: {  	p2 =	seq.s32 s22, $0x7;
	s24 =	sadd.s32 s31, s24;
	[tilespmem:v12+s16+$0x0] =	vst.idx.add.s32.msk $0xffff, v2  }
0x15f: {  	s25 =	sadd.s32 @!p2 s23, s7;
	s26 =	simm.s32 @!p2 $0x80;
	s24 =	sor.u32 s8, s24;
	[tilespmem:v10+s16+$0x0] =	vst.idx.add.s32.msk $0xffff, v2  }
0x160: {  	s28 =	simm.s32 @!p2 $0x1000;
	s29 =	simm.s32 @!p2 $0x0;
	s24 =	sshrl.u32 s24, $0x3;
	[tilespmem:v13+s16+$0x0] =	vst.idx.add.s32.msk $0xffff, v2  }
0x161: {  	[tilespmem:s29], [sflag:$0x1] =	stream.strided.gather @!p2 [hbm4b:s25+s26], $0x4000, s28, s26, $0x38;
	[tilespmem:$0x18000] =	vst v63  }
0x162: {  	s24 =	sadd.s32 s4, s24  }
0x163: {  	[hbm4b:s24+s12] =	stream.strided.scatter [tilespmem:s16], [sflag:$0x3], $0x8000, s13, s12, $0x38;
	[tilespmem:$0x18000] =	vst v63  }
0x164: {  	s24 =	simm.s32 @!p1 $0x4  }
0x165: {  	_ =	swait.ge @!p1 [sflag:s24], $0x8000  }
0x166: {  	[sflag:s24] =	ssyncset.done @!p1 $0x0  }
0x167: {  	s25 =	simm.s32 $0x10000;
	[sflag:s24] =	ssyncadd.s32 @!p1 $0xFFFF8000  }
0x168: {  	[tilespmem:s25+$0x0] =	vst v1  }
0x169: {  	[tilespmem:s25+$0x1F0] =	vst v1  }
0x16a: {  	[tilespmem:s25+$0x1E0] =	vst v1  }
0x16b: {  	[tilespmem:s25+$0x1D0] =	vst v1  }
0x16c: {  	[tilespmem:s25+$0x1C0] =	vst v1  }
0x16d: {  	[tilespmem:s25+$0x1B0] =	vst v1  }
0x16e: {  	[tilespmem:s25+$0x1A0] =	vst v1  }
0x16f: {  	[tilespmem:s25+$0x190] =	vst v1  }
0x170: {  	[tilespmem:s25+$0x180] =	vst v1  }
0x171: {  	[tilespmem:s25+$0x170] =	vst v1  }
0x172: {  	[tilespmem:s25+$0x160] =	vst v1  }
0x173: {  	[tilespmem:s25+$0x150] =	vst v1  }
0x174: {  	[tilespmem:s25+$0x140] =	vst v1  }
0x175: {  	[tilespmem:s25+$0x130] =	vst v1  }
0x176: {  	[tilespmem:s25+$0x120] =	vst v1  }
0x177: {  	[tilespmem:s25+$0x110] =	vst v1  }
0x178: {  	[tilespmem:s25+$0x100] =	vst v1  }
0x179: {  	[tilespmem:s25+$0xF0] =	vst v1  }
0x17a: {  	[tilespmem:s25+$0xE0] =	vst v1  }
0x17b: {  	[tilespmem:s25+$0xD0] =	vst v1  }
0x17c: {  	[tilespmem:s25+$0xC0] =	vst v1  }
0x17d: {  	[tilespmem:s25+$0xB0] =	vst v1  }
0x17e: {  	[tilespmem:s25+$0xA0] =	vst v1  }
0x17f: {  	[tilespmem:s25+$0x90] =	vst v1  }
0x180: {  	[tilespmem:s25+$0x80] =	vst v1  }
0x181: {  	[tilespmem:s25+$0x70] =	vst v1  }
0x182: {  	[tilespmem:s25+$0x60] =	vst v1  }
0x183: {  	[tilespmem:s25+$0x50] =	vst v1  }
0x184: {  	[tilespmem:s25+$0x40] =	vst v1  }
0x185: {  	[tilespmem:s25+$0x30] =	vst v1  }
0x186: {  	s26 =	simm.s32 $0x0;
	s24 =	sshll.u32 s22, $0x12;
	[tilespmem:s25+$0x20] =	vst v1  }
.LBB2_7:
0x187: {  	s26 =	sadd.s32 $0x4, s26;
	[tilespmem:s25+$0x10] =	vst v1;
	s25 =	sadd.s32 $0x200, s25  }
0x188: {  	[tilespmem:s25+$0x0] =	vst v1;
	p1 =	slt.u32 s26, $0xFC  }
0x189: {  	[tilespmem:s25+$0x1F0] =	vst v1  }
0x18a: {  	[tilespmem:s25+$0x1E0] =	vst v1  }
0x18b: {  	[tilespmem:s25+$0x1D0] =	vst v1  }
0x18c: {  	[tilespmem:s25+$0x1C0] =	vst v1  }
0x18d: {  	[tilespmem:s25+$0x1B0] =	vst v1  }
0x18e: {  	[tilespmem:s25+$0x1A0] =	vst v1  }
0x18f: {  	[tilespmem:s25+$0x190] =	vst v1  }
0x190: {  	[tilespmem:s25+$0x180] =	vst v1  }
0x191: {  	[tilespmem:s25+$0x170] =	vst v1  }
0x192: {  	[tilespmem:s25+$0x160] =	vst v1  }
0x193: {  	[tilespmem:s25+$0x150] =	vst v1  }
0x194: {  	[tilespmem:s25+$0x140] =	vst v1  }
0x195: {  	[tilespmem:s25+$0x130] =	vst v1  }
0x196: {  	[tilespmem:s25+$0x120] =	vst v1  }
0x197: {  	[tilespmem:s25+$0x110] =	vst v1  }
0x198: {  	[tilespmem:s25+$0x100] =	vst v1  }
0x199: {  	[tilespmem:s25+$0xF0] =	vst v1  }
0x19a: {  	[tilespmem:s25+$0xE0] =	vst v1  }
0x19b: {  	[tilespmem:s25+$0xD0] =	vst v1  }
0x19c: {  	[tilespmem:s25+$0xC0] =	vst v1  }
0x19d: {  	[tilespmem:s25+$0xB0] =	vst v1  }
0x19e: {  	[tilespmem:s25+$0xA0] =	vst v1  }
0x19f: {  	[tilespmem:s25+$0x90] =	vst v1  }
0x1a0: {  	[tilespmem:s25+$0x80] =	vst v1  }
0x1a1: {  	[tilespmem:s25+$0x70] =	vst v1  }
.Ltmp2:
0x1a2: {  	[tilespmem:s25+$0x60] =	vst v1;
	(pc) =	sbr.rel @p1 .LBB2_7-.Ltmp2, $4  }
0x1a3: {  	[tilespmem:s25+$0x50] =	vst v1  }
0x1a4: {  	[tilespmem:s25+$0x40] =	vst v1  }
0x1a5: {  	[tilespmem:s25+$0x30] =	vst v1  }
0x1a6: {  	[tilespmem:s25+$0x20] =	vst v1  }
0x1a7: {  	[tilespmem:s25+$0x10] =	vst v1  }
0x1a8: {  	_ =	swait.ge [sflag:s17], $0x4000  }
0x1a9: {  	[sflag:s17] =	ssyncset.done $0x0  }
0x1aa: {  	s25 =	simm.s32 $0x4000;
	[sflag:s17] =	ssyncadd.s32 $0xFFFFC000  }
0x1ab: {  	v10 =	vld [tilespmem:s25+$0x380];
	_ =	sdelay $0x4  }
0x1ac: {  	v11 =	vld [tilespmem:s25+$0x80];
	v10 =	vshll.u32 v10, $0x7  }
0x1ad: {  	v12 =	vld [tilespmem:s25+$0x100];
	v10 =	vor.u32 v0, v10  }
0x1ae: {  	v13 =	vld [tilespmem:s25+$0x180];
	_ =	sdelay $0x1  }
0x1af: {  	v14 =	vld [tilespmem:s25+$0x0]  }
0x1b0: {  	v11 =	vshll.u32 v11, $0x7  }
0x1b1: {  	[tilespmem:v10+s18+$0x0] =	vst.idx.add.s32.msk $0xffff, v2;
	v10 =	vor.u32 v0, v11;
	v11 =	vshll.u32 v12, $0x7  }
0x1b2: {  	v15 =	vld [tilespmem:s25+$0x200];
	v13 =	vshll.u32 v13, $0x7;
	v11 =	vor.u32 v0, v11  }
0x1b3: {  	v13 =	vor.u32 v0, v13  }
0x1b4: {  	v14 =	vshll.u32 v14, $0x7;
	v12 =	vld [tilespmem:s25+$0x390]  }
0x1b5: {  	v16 =	vld [tilespmem:s25+$0x280];
	v14 =	vor.u32 v0, v14  }
0x1b6: {  	v17 =	vld [tilespmem:s25+$0x300]  }
0x1b7: {  	[tilespmem:v11+s18+$0x0] =	vst.idx.add.s32.msk $0xffff, v2;
	v11 =	vshll.u32 v15, $0x7  }
0x1b8: {  	[tilespmem:v13+s18+$0x0] =	vst.idx.add.s32.msk $0xffff, v2;
	v11 =	vor.u32 v0, v11  }
0x1b9: {  	[tilespmem:v10+s18+$0x0] =	vst.idx.add.s32.msk $0xffff, v2;
	v10 =	vshll.u32 v12, $0x7  }
0x1ba: {  	[tilespmem:v14+s18+$0x0] =	vst.idx.add.s32.msk $0xffff, v2;
	v10 =	vor.u32 v3, v10  }
0x1bb: {  	v12 =	vshll.u32 v16, $0x7;
	v14 =	vld [tilespmem:s25+$0x90]  }
0x1bc: {  	v13 =	vld [tilespmem:s25+$0x10];
	v12 =	vor.u32 v0, v12  }
0x1bd: {  	v15 =	vshll.u32 v17, $0x7;
	[tilespmem:v11+s18+$0x0] =	vst.idx.add.s32.msk $0xffff, v2  }
0x1be: {  	v11 =	vor.u32 v0, v15;
	v15 =	vld [tilespmem:s25+$0x110]  }
0x1bf: {  	[tilespmem:v10+s18+$0x0] =	vst.idx.add.s32.msk $0xffff, v2  }
0x1c0: {  	v14 =	vshll.u32 v14, $0x7;
	v10 =	vld [tilespmem:s25+$0x3A0]  }
0x1c1: {  	[tilespmem:v12+s18+$0x0] =	vst.idx.add.s32.msk $0xffff, v2;
	v14 =	vor.u32 v3, v14  }
0x1c2: {  	v12 =	vshll.u32 v13, $0x7;
	v13 =	vld [tilespmem:s25+$0x190]  }
0x1c3: {  	v12 =	vor.u32 v3, v12;
	[tilespmem:v11+s18+$0x0] =	vst.idx.add.s32.msk $0xffff, v2;
	v11 =	vshll.u32 v15, $0x7  }
0x1c4: {  	v16 =	vld [tilespmem:s25+$0x210];
	v11 =	vor.u32 v3, v11  }
0x1c5: {  	v17 =	vld [tilespmem:s25+$0x290];
	v10 =	vshll.u32 v10, $0x7  }
0x1c6: {  	[tilespmem:v14+s18+$0x0] =	vst.idx.add.s32.msk $0xffff, v2;
	v10 =	vor.u32 v4, v10  }
0x1c7: {  	v13 =	vshll.u32 v13, $0x7;
	v15 =	vld [tilespmem:s25+$0x310]  }
0x1c8: {  	[tilespmem:v12+s18+$0x0] =	vst.idx.add.s32.msk $0xffff, v2;
	v12 =	vor.u32 v3, v13  }
0x1c9: {  	v13 =	vshll.u32 v16, $0x7;
	[tilespmem:v11+s18+$0x0] =	vst.idx.add.s32.msk $0xffff, v2  }
0x1ca: {  	v13 =	vor.u32 v3, v13;
	v11 =	vld [tilespmem:s25+$0x20]  }
0x1cb: {  	v14 =	vshll.u32 v17, $0x7;
	[tilespmem:v10+s18+$0x0] =	vst.idx.add.s32.msk $0xffff, v2  }
0x1cc: {  	v10 =	vor.u32 v3, v14;
	v14 =	vld [tilespmem:s25+$0x3B0]  }
0x1cd: {  	[tilespmem:v12+s18+$0x0] =	vst.idx.add.s32.msk $0xffff, v2  }
0x1ce: {  	v12 =	vld [tilespmem:s25+$0xA0]  }
0x1cf: {  	[tilespmem:v13+s18+$0x0] =	vst.idx.add.s32.msk $0xffff, v2;
	v13 =	vshll.u32 v15, $0x7  }
0x1d0: {  	v13 =	vor.u32 v3, v13;
	v16 =	vld [tilespmem:s25+$0x220];
	v11 =	vshll.u32 v11, $0x7  }
0x1d1: {  	[tilespmem:v10+s18+$0x0] =	vst.idx.add.s32.msk $0xffff, v2;
	v11 =	vor.u32 v4, v11;
	v10 =	vshll.u32 v14, $0x7  }
0x1d2: {  	v15 =	vld [tilespmem:s25+$0x1A0];
	v10 =	vor.u32 v5, v10  }
0x1d3: {  	v14 =	vld [tilespmem:s25+$0x120]  }
0x1d4: {  	v17 =	vld [tilespmem:s25+$0x2A0]  }
0x1d5: {  	[tilespmem:v13+s18+$0x0] =	vst.idx.add.s32.msk $0xffff, v2  }
0x1d6: {  	v16 =	vshll.u32 v16, $0x7;
	[tilespmem:v11+s18+$0x0] =	vst.idx.add.s32.msk $0xffff, v2  }
0x1d7: {  	v12 =	vshll.u32 v12, $0x7;
	v11 =	vor.u32 v4, v16;
	[tilespmem:v10+s18+$0x0] =	vst.idx.add.s32.msk $0xffff, v2  }
0x1d8: {  	v10 =	vor.u32 v4, v12;
	v12 =	vshll.u32 v14, $0x7;
	v14 =	vld [tilespmem:s25+$0x3C0]  }
0x1d9: {  	v13 =	vshll.u32 v15, $0x7;
	v15 =	vld [tilespmem:s25+$0x320];
	v12 =	vor.u32 v4, v12;
	_ =	sdelay $0x1  }
0x1da: {  	v13 =	vor.u32 v4, v13;
	v16 =	vshll.u32 v17, $0x7;
	v17 =	vld [tilespmem:s25+$0x30]  }
0x1db: {  	v16 =	vor.u32 v4, v16;
	[tilespmem:v11+s18+$0x0] =	vst.idx.add.s32.msk $0xffff, v2  }
0x1dc: {  	[tilespmem:v10+s18+$0x0] =	vst.idx.add.s32.msk $0xffff, v2;
	v10 =	vshll.u32 v14, $0x7  }
0x1dd: {  	[tilespmem:v12+s18+$0x0] =	vst.idx.add.s32.msk $0xffff, v2;
	v12 =	vshll.u32 v15, $0x7;
	v10 =	vor.u32 v6, v10  }
0x1de: {  	v11 =	vld [tilespmem:s25+$0xB0];
	v12 =	vor.u32 v4, v12  }
0x1df: {  	[tilespmem:v13+s18+$0x0] =	vst.idx.add.s32.msk $0xffff, v2  }
0x1e0: {  	[tilespmem:v16+s18+$0x0] =	vst.idx.add.s32.msk $0xffff, v2  }
0x1e1: {  	v15 =	vld [tilespmem:s25+$0x230]  }
0x1e2: {  	v13 =	vshll.u32 v17, $0x7;
	[tilespmem:v10+s18+$0x0] =	vst.idx.add.s32.msk $0xffff, v2  }
0x1e3: {  	v11 =	vshll.u32 v11, $0x7;
	[tilespmem:v12+s18+$0x0] =	vst.idx.add.s32.msk $0xffff, v2;
	v12 =	vor.u32 v5, v13  }
0x1e4: {  	v13 =	vld [tilespmem:s25+$0x130];
	v11 =	vor.u32 v5, v11  }
0x1e5: {  	v10 =	vld [tilespmem:s25+$0x3D0]  }
0x1e6: {  	v14 =	vld [tilespmem:s25+$0x1B0]  }
0x1e7: {  	v16 =	vld [tilespmem:s25+$0x2B0]  }
0x1e8: {  	v15 =	vshll.u32 v15, $0x7;
	[tilespmem:v12+s18+$0x0] =	vst.idx.add.s32.msk $0xffff, v2  }
0x1e9: {  	v12 =	vshll.u32 v13, $0x7;
	[tilespmem:v11+s18+$0x0] =	vst.idx.add.s32.msk $0xffff, v2;
	v11 =	vor.u32 v5, v15  }
0x1ea: {  	v10 =	vshll.u32 v10, $0x7;
	v12 =	vor.u32 v5, v12  }
0x1eb: {  	v17 =	vld [tilespmem:s25+$0x330];
	v10 =	vor.u32 v7, v10  }
0x1ec: {  	v14 =	vshll.u32 v14, $0x7;
	v13 =	vld [tilespmem:s25+$0x40]  }
0x1ed: {  	v14 =	vor.u32 v5, v14;
	v15 =	vshll.u32 v16, $0x7;
	v16 =	vld [tilespmem:s25+$0xC0]  }
0x1ee: {  	v15 =	vor.u32 v5, v15;
	[tilespmem:v11+s18+$0x0] =	vst.idx.add.s32.msk $0xffff, v2  }
0x1ef: {  	[tilespmem:v12+s18+$0x0] =	vst.idx.add.s32.msk $0xffff, v2  }
0x1f0: {  	v12 =	vshll.u32 v17, $0x7;
	[tilespmem:v10+s18+$0x0] =	vst.idx.add.s32.msk $0xffff, v2  }
0x1f1: {  	v11 =	vor.u32 v5, v12;
	v10 =	vld [tilespmem:s25+$0x3E0]  }
0x1f2: {  	[tilespmem:v14+s18+$0x0] =	vst.idx.add.s32.msk $0xffff, v2  }
0x1f3: {  	[tilespmem:v15+s18+$0x0] =	vst.idx.add.s32.msk $0xffff, v2  }
0x1f4: {  	v13 =	vshll.u32 v13, $0x7;
	v15 =	vshll.u32 v16, $0x7;
	v16 =	vld [tilespmem:s25+$0x240]  }
0x1f5: {  	v12 =	vld [tilespmem:s25+$0x140];
	v13 =	vor.u32 v6, v13  }
0x1f6: {  	[tilespmem:v11+s18+$0x0] =	vst.idx.add.s32.msk $0xffff, v2;
	v10 =	vshll.u32 v10, $0x7  }
0x1f7: {  	v11 =	vld [tilespmem:s25+$0x340];
	v10 =	vor.u32 v8, v10  }
0x1f8: {  	v14 =	vld [tilespmem:s25+$0x1C0];
	v15 =	vor.u32 v6, v15  }
0x1f9: {  	v17 =	vld [tilespmem:s25+$0x2C0]  }
0x1fa: {  	[tilespmem:v13+s18+$0x0] =	vst.idx.add.s32.msk $0xffff, v2;
	v13 =	vshll.u32 v16, $0x7  }
0x1fb: {  	v12 =	vshll.u32 v12, $0x7;
	v13 =	vor.u32 v6, v13  }
0x1fc: {  	v11 =	vshll.u32 v11, $0x7;
	[tilespmem:v10+s18+$0x0] =	vst.idx.add.s32.msk $0xffff, v2;
	v10 =	vor.u32 v6, v12  }
0x1fd: {  	[tilespmem:v15+s18+$0x0] =	vst.idx.add.s32.msk $0xffff, v2;
	v12 =	vshll.u32 v14, $0x7;
	v11 =	vor.u32 v6, v11  }
0x1fe: {  	v15 =	vld [tilespmem:s25+$0x50];
	v12 =	vor.u32 v6, v12  }
0x1ff: {  	v16 =	vld [tilespmem:s25+$0xD0];
	v14 =	vshll.u32 v17, $0x7  }
0x200: {  	[tilespmem:v13+s18+$0x0] =	vst.idx.add.s32.msk $0xffff, v2;
	v14 =	vor.u32 v6, v14  }
0x201: {  	[tilespmem:v10+s18+$0x0] =	vst.idx.add.s32.msk $0xffff, v2  }
0x202: {  	[tilespmem:v11+s18+$0x0] =	vst.idx.add.s32.msk $0xffff, v2  }
0x203: {  	[tilespmem:v12+s18+$0x0] =	vst.idx.add.s32.msk $0xffff, v2  }
0x204: {  	v10 =	vld [tilespmem:s25+$0x150]  }
0x205: {  	[tilespmem:v14+s18+$0x0] =	vst.idx.add.s32.msk $0xffff, v2;
	v12 =	vshll.u32 v15, $0x7  }
0x206: {  	v11 =	vor.u32 v7, v12;
	v12 =	vshll.u32 v16, $0x7;
	v13 =	vld [tilespmem:s25+$0x1D0]  }
0x207: {  	v14 =	vld [tilespmem:s25+$0x250];
	v12 =	vor.u32 v7, v12  }
0x208: {  	v15 =	vld [tilespmem:s25+$0x2D0]  }
0x209: {  	v17 =	vld [tilespmem:s25+$0x3F0];
	v10 =	vshll.u32 v10, $0x7  }
0x20a: {  	v16 =	vld [tilespmem:s25+$0x350];
	v10 =	vor.u32 v7, v10  }
0x20b: {  	[tilespmem:v11+s18+$0x0] =	vst.idx.add.s32.msk $0xffff, v2;
	v11 =	vshll.u32 v13, $0x7  }
0x20c: {  	[tilespmem:v12+s18+$0x0] =	vst.idx.add.s32.msk $0xffff, v2;
	v11 =	vor.u32 v7, v11;
	v12 =	vshll.u32 v14, $0x7  }
0x20d: {  	v13 =	vld [tilespmem:s25+$0x60];
	v14 =	vshll.u32 v15, $0x7;
	v12 =	vor.u32 v7, v12  }
0x20e: {  	v15 =	vld [tilespmem:s25+$0xE0];
	v14 =	vor.u32 v7, v14  }
0x20f: {  	v16 =	vshll.u32 v16, $0x7;
	[tilespmem:v10+s18+$0x0] =	vst.idx.add.s32.msk $0xffff, v2  }
0x210: {  	v10 =	vor.u32 v7, v16;
	v16 =	vld [tilespmem:s25+$0x160]  }
0x211: {  	[tilespmem:v11+s18+$0x0] =	vst.idx.add.s32.msk $0xffff, v2  }
0x212: {  	[tilespmem:v12+s18+$0x0] =	vst.idx.add.s32.msk $0xffff, v2  }
0x213: {  	v11 =	vshll.u32 v17, $0x7;
	[tilespmem:v14+s18+$0x0] =	vst.idx.add.s32.msk $0xffff, v2  }
0x214: {  	v11 =	vor.u32 v9, v11;
	v12 =	vshll.u32 v13, $0x7;
	v13 =	vld [tilespmem:s25+$0x1E0]  }
0x215: {  	[tilespmem:v10+s18+$0x0] =	vst.idx.add.s32.msk $0xffff, v2;
	v10 =	vor.u32 v8, v12;
	v12 =	vshll.u32 v15, $0x7  }
0x216: {  	v15 =	vld [tilespmem:s25+$0x260];
	v12 =	vor.u32 v8, v12  }
0x217: {  	v14 =	vshll.u32 v16, $0x7;
	v16 =	vld [tilespmem:s25+$0x2E0]  }
0x218: {  	v17 =	vld [tilespmem:s25+$0x360];
	v14 =	vor.u32 v8, v14  }
0x219: {  	[tilespmem:v11+s18+$0x0] =	vst.idx.add.s32.msk $0xffff, v2  }
0x21a: {  	[tilespmem:v10+s18+$0x0] =	vst.idx.add.s32.msk $0xffff, v2;
	v10 =	vshll.u32 v13, $0x7  }
0x21b: {  	v11 =	vshll.u32 v15, $0x7;
	[tilespmem:v12+s18+$0x0] =	vst.idx.add.s32.msk $0xffff, v2;
	v10 =	vor.u32 v8, v10  }
0x21c: {  	v11 =	vor.u32 v8, v11;
	v12 =	vshll.u32 v16, $0x7;
	v13 =	vld [tilespmem:s25+$0x70]  }
0x21d: {  	[tilespmem:v14+s18+$0x0] =	vst.idx.add.s32.msk $0xffff, v2;
	v12 =	vor.u32 v8, v12  }
0x21e: {  	v14 =	vshll.u32 v17, $0x7;
	v15 =	vld [tilespmem:s25+$0xF0]  }
0x21f: {  	v14 =	vor.u32 v8, v14;
	v16 =	vld [tilespmem:s25+$0x170]  }
0x220: {  	[tilespmem:v10+s18+$0x0] =	vst.idx.add.s32.msk $0xffff, v2  }
0x221: {  	[tilespmem:v11+s18+$0x0] =	vst.idx.add.s32.msk $0xffff, v2  }
0x222: {  	[tilespmem:v12+s18+$0x0] =	vst.idx.add.s32.msk $0xffff, v2  }
0x223: {  	v11 =	vld [tilespmem:s25+$0x1F0]  }
0x224: {  	v10 =	vshll.u32 v13, $0x7;
	v12 =	vshll.u32 v15, $0x7;
	[tilespmem:v14+s18+$0x0] =	vst.idx.add.s32.msk $0xffff, v2;
	v13 =	vshll.u32 v16, $0x7  }
0x225: {  	s26 =	simm.s32 $0x0;
	s28 =	simm.s32 $0x4400;
	v10 =	vor.u32 v9, v10;
	v14 =	vor.u32 v9, v12;
	v12 =	vld [tilespmem:s25+$0x270];
	v15 =	vor.u32 v9, v13  }
.LBB2_9:
0x226: {  	v16 =	vld [tilespmem:s28+$0x380];
	s26 =	sadd.s32 $0x8, s26  }
0x227: {  	v17 =	vld [tilespmem:s28+$0x80];
	p1 =	slt.u32 s26, $0x78  }
0x228: {  	v18 =	vld [tilespmem:s28+$0x100]  }
0x229: {  	v19 =	vld [tilespmem:s28+$0x180];
	v11 =	vshll.u32 v11, $0x7  }
0x22a: {  	v20 =	vld [tilespmem:s28+$0x200];
	v13 =	vor.u32 v9, v11;
	v11 =	vshll.u32 v12, $0x7  }
0x22b: {  	v21 =	vld [tilespmem:s28+$0x280];
	v16 =	vshll.u32 v16, $0x7;
	v12 =	vor.u32 v9, v11  }
0x22c: {  	v11 =	vshll.u32 v17, $0x7;
	v17 =	vld [tilespmem:s28+$0x300];
	v16 =	vor.u32 v0, v16  }
0x22d: {  	v22 =	vld [tilespmem:s28+$0x0];
	v11 =	vor.u32 v0, v11;
	v18 =	vshll.u32 v18, $0x7  }
0x22e: {  	v18 =	vor.u32 v0, v18;
	v19 =	vshll.u32 v19, $0x7;
	v23 =	vld [tilespmem:s25+$0x2F0]  }
0x22f: {  	v19 =	vor.u32 v0, v19;
	v20 =	vshll.u32 v20, $0x7;
	v24 =	vld [tilespmem:s25+$0x370];
	s25 =	smov.u32 s28  }
0x230: {  	v20 =	vor.u32 v0, v20;
	v21 =	vshll.u32 v21, $0x7;
	[tilespmem:v10+s18+$0x0] =	vst.idx.add.s32.msk $0xffff, v2  }
0x231: {  	v21 =	vor.u32 v0, v21;
	v10 =	vshll.u32 v17, $0x7;
	[tilespmem:v16+s18+$0x0] =	vst.idx.add.s32.msk $0xffff, v2  }
0x232: {  	v16 =	vshll.u32 v22, $0x7;
	v17 =	vor.u32 v0, v10;
	v22 =	vld [tilespmem:s28+$0x390]  }
0x233: {  	v16 =	vor.u32 v0, v16;
	[tilespmem:v11+s18+$0x0] =	vst.idx.add.s32.msk $0xffff, v2;
	v10 =	vshll.u32 v23, $0x7  }
0x234: {  	[tilespmem:v18+s18+$0x0] =	vst.idx.add.s32.msk $0xffff, v2;
	v11 =	vor.u32 v9, v10;
	v10 =	vshll.u32 v24, $0x7  }
0x235: {  	[tilespmem:v19+s18+$0x0] =	vst.idx.add.s32.msk $0xffff, v2;
	v10 =	vor.u32 v9, v10  }
0x236: {  	[tilespmem:v20+s18+$0x0] =	vst.idx.add.s32.msk $0xffff, v2  }
0x237: {  	[tilespmem:v21+s18+$0x0] =	vst.idx.add.s32.msk $0xffff, v2;
	v18 =	vshll.u32 v22, $0x7  }
0x238: {  	[tilespmem:v16+s18+$0x0] =	vst.idx.add.s32.msk $0xffff, v2;
	v16 =	vor.u32 v3, v18  }
0x239: {  	[tilespmem:v17+s18+$0x0] =	vst.idx.add.s32.msk $0xffff, v2  }
0x23a: {  	v17 =	vld [tilespmem:s28+$0x10]  }
0x23b: {  	v18 =	vld [tilespmem:s28+$0x90]  }
0x23c: {  	v19 =	vld [tilespmem:s28+$0x110]  }
0x23d: {  	[tilespmem:v16+s18+$0x0] =	vst.idx.add.s32.msk $0xffff, v2  }
0x23e: {  	v16 =	vld [tilespmem:s28+$0x3A0]  }
0x23f: {  	v17 =	vshll.u32 v17, $0x7;
	v20 =	vld [tilespmem:s28+$0x190]  }
0x240: {  	v17 =	vor.u32 v3, v17;
	v18 =	vshll.u32 v18, $0x7;
	v21 =	vld [tilespmem:s28+$0x210]  }
0x241: {  	v18 =	vor.u32 v3, v18;
	v19 =	vshll.u32 v19, $0x7;
	v22 =	vld [tilespmem:s28+$0x290]  }
0x242: {  	v19 =	vor.u32 v3, v19;
	v23 =	vld [tilespmem:s28+$0x310]  }
0x243: {  	v16 =	vshll.u32 v16, $0x7;
	[tilespmem:v14+s18+$0x0] =	vst.idx.add.s32.msk $0xffff, v2  }
0x244: {  	v14 =	vshll.u32 v20, $0x7;
	v16 =	vor.u32 v4, v16;
	[tilespmem:v15+s18+$0x0] =	vst.idx.add.s32.msk $0xffff, v2  }
0x245: {  	[tilespmem:v17+s18+$0x0] =	vst.idx.add.s32.msk $0xffff, v2;
	v14 =	vor.u32 v3, v14;
	v15 =	vshll.u32 v21, $0x7  }
0x246: {  	[tilespmem:v18+s18+$0x0] =	vst.idx.add.s32.msk $0xffff, v2;
	v15 =	vor.u32 v3, v15;
	v17 =	vshll.u32 v22, $0x7  }
0x247: {  	[tilespmem:v19+s18+$0x0] =	vst.idx.add.s32.msk $0xffff, v2;
	v17 =	vor.u32 v3, v17;
	v18 =	vshll.u32 v23, $0x7  }
0x248: {  	v19 =	vld [tilespmem:s28+$0x20];
	v18 =	vor.u32 v3, v18  }
0x249: {  	[tilespmem:v16+s18+$0x0] =	vst.idx.add.s32.msk $0xffff, v2  }
0x24a: {  	v16 =	vld [tilespmem:s28+$0x3B0]  }
0x24b: {  	[tilespmem:v14+s18+$0x0] =	vst.idx.add.s32.msk $0xffff, v2  }
0x24c: {  	[tilespmem:v15+s18+$0x0] =	vst.idx.add.s32.msk $0xffff, v2  }
0x24d: {  	v14 =	vshll.u32 v19, $0x7;
	[tilespmem:v17+s18+$0x0] =	vst.idx.add.s32.msk $0xffff, v2  }
0x24e: {  	v14 =	vor.u32 v4, v14;
	[tilespmem:v18+s18+$0x0] =	vst.idx.add.s32.msk $0xffff, v2  }
0x24f: {  	v15 =	vld [tilespmem:s28+$0xA0];
	v16 =	vshll.u32 v16, $0x7  }
0x250: {  	v17 =	vld [tilespmem:s28+$0x120];
	v16 =	vor.u32 v5, v16  }
0x251: {  	v18 =	vld [tilespmem:s28+$0x1A0]  }
0x252: {  	v19 =	vld [tilespmem:s28+$0x220]  }
0x253: {  	v20 =	vld [tilespmem:s28+$0x2A0]  }
0x254: {  	v15 =	vshll.u32 v15, $0x7;
	v21 =	vld [tilespmem:s28+$0x320]  }
0x255: {  	v15 =	vor.u32 v4, v15;
	v17 =	vshll.u32 v17, $0x7;
	[tilespmem:v16+s18+$0x0] =	vst.idx.add.s32.msk $0xffff, v2  }
0x256: {  	v16 =	vor.u32 v4, v17;
	v17 =	vshll.u32 v18, $0x7;
	v18 =	vld [tilespmem:s28+$0x3C0]  }
0x257: {  	[tilespmem:v14+s18+$0x0] =	vst.idx.add.s32.msk $0xffff, v2;
	v14 =	vor.u32 v4, v17;
	v17 =	vshll.u32 v19, $0x7  }
0x258: {  	v19 =	vld [tilespmem:s28+$0x30];
	v17 =	vor.u32 v4, v17;
	v20 =	vshll.u32 v20, $0x7  }
0x259: {  	v20 =	vor.u32 v4, v20;
	v21 =	vshll.u32 v21, $0x7;
	[tilespmem:v13+s18+$0x0] =	vst.idx.add.s32.msk $0xffff, v2  }
0x25a: {  	[tilespmem:v15+s18+$0x0] =	vst.idx.add.s32.msk $0xffff, v2;
	v13 =	vor.u32 v4, v21  }
0x25b: {  	[tilespmem:v16+s18+$0x0] =	vst.idx.add.s32.msk $0xffff, v2;
	v15 =	vshll.u32 v18, $0x7  }
0x25c: {  	[tilespmem:v14+s18+$0x0] =	vst.idx.add.s32.msk $0xffff, v2;
	v14 =	vor.u32 v6, v15  }
0x25d: {  	v15 =	vshll.u32 v19, $0x7;
	[tilespmem:v17+s18+$0x0] =	vst.idx.add.s32.msk $0xffff, v2  }
0x25e: {  	v15 =	vor.u32 v5, v15;
	[tilespmem:v20+s18+$0x0] =	vst.idx.add.s32.msk $0xffff, v2  }
0x25f: {  	[tilespmem:v13+s18+$0x0] =	vst.idx.add.s32.msk $0xffff, v2  }
0x260: {  	v13 =	vld [tilespmem:s28+$0xB0]  }
0x261: {  	[tilespmem:v14+s18+$0x0] =	vst.idx.add.s32.msk $0xffff, v2  }
0x262: {  	v14 =	vld [tilespmem:s28+$0x3D0]  }
0x263: {  	v16 =	vld [tilespmem:s28+$0x130]  }
0x264: {  	v17 =	vld [tilespmem:s28+$0x1B0]  }
0x265: {  	v13 =	vshll.u32 v13, $0x7;
	v18 =	vld [tilespmem:s28+$0x230]  }
0x266: {  	v13 =	vor.u32 v5, v13;
	v19 =	vld [tilespmem:s28+$0x2B0]  }
0x267: {  	v20 =	vld [tilespmem:s28+$0x330];
	v14 =	vshll.u32 v14, $0x7  }
0x268: {  	[tilespmem:v15+s18+$0x0] =	vst.idx.add.s32.msk $0xffff, v2;
	v15 =	vshll.u32 v16, $0x7;
	v14 =	vor.u32 v7, v14  }
0x269: {  	v16 =	vld [tilespmem:s28+$0x40];
	v15 =	vor.u32 v5, v15;
	v17 =	vshll.u32 v17, $0x7  }
0x26a: {  	v17 =	vor.u32 v5, v17;
	v18 =	vshll.u32 v18, $0x7;
	[tilespmem:v12+s18+$0x0] =	vst.idx.add.s32.msk $0xffff, v2  }
0x26b: {  	[tilespmem:v13+s18+$0x0] =	vst.idx.add.s32.msk $0xffff, v2;
	v12 =	vor.u32 v5, v18;
	v13 =	vshll.u32 v19, $0x7  }
0x26c: {  	v18 =	vld [tilespmem:s28+$0xC0];
	v13 =	vor.u32 v5, v13;
	v19 =	vshll.u32 v20, $0x7  }
0x26d: {  	v19 =	vor.u32 v5, v19;
	[tilespmem:v14+s18+$0x0] =	vst.idx.add.s32.msk $0xffff, v2  }
0x26e: {  	v14 =	vshll.u32 v16, $0x7;
	v16 =	vld [tilespmem:s28+$0x3E0]  }
0x26f: {  	v14 =	vor.u32 v6, v14;
	[tilespmem:v15+s18+$0x0] =	vst.idx.add.s32.msk $0xffff, v2  }
0x270: {  	[tilespmem:v17+s18+$0x0] =	vst.idx.add.s32.msk $0xffff, v2  }
0x271: {  	v15 =	vshll.u32 v18, $0x7;
	[tilespmem:v12+s18+$0x0] =	vst.idx.add.s32.msk $0xffff, v2  }
0x272: {  	v12 =	vor.u32 v6, v15;
	[tilespmem:v13+s18+$0x0] =	vst.idx.add.s32.msk $0xffff, v2  }
0x273: {  	[tilespmem:v19+s18+$0x0] =	vst.idx.add.s32.msk $0xffff, v2;
	v13 =	vshll.u32 v16, $0x7  }
0x274: {  	v15 =	vld [tilespmem:s28+$0x140];
	v13 =	vor.u32 v8, v13  }
0x275: {  	v16 =	vld [tilespmem:s28+$0x1C0]  }
0x276: {  	v17 =	vld [tilespmem:s28+$0x240]  }
0x277: {  	v18 =	vld [tilespmem:s28+$0x2C0]  }
0x278: {  	v19 =	vld [tilespmem:s28+$0x340]  }
0x279: {  	v15 =	vshll.u32 v15, $0x7;
	[tilespmem:v13+s18+$0x0] =	vst.idx.add.s32.msk $0xffff, v2  }
0x27a: {  	v13 =	vor.u32 v6, v15;
	v15 =	vshll.u32 v16, $0x7;
	v16 =	vld [tilespmem:s28+$0x3F0]  }
0x27b: {  	[tilespmem:v14+s18+$0x0] =	vst.idx.add.s32.msk $0xffff, v2;
	v14 =	vor.u32 v6, v15;
	v15 =	vshll.u32 v17, $0x7  }
0x27c: {  	[tilespmem:v12+s18+$0x0] =	vst.idx.add.s32.msk $0xffff, v2;
	v12 =	vor.u32 v6, v15;
	v15 =	vshll.u32 v18, $0x7  }
0x27d: {  	v17 =	vld [tilespmem:s28+$0x50];
	v15 =	vor.u32 v6, v15;
	v18 =	vshll.u32 v19, $0x7  }
0x27e: {  	v19 =	vld [tilespmem:s28+$0xD0];
	v18 =	vor.u32 v6, v18  }
0x27f: {  	[tilespmem:v13+s18+$0x0] =	vst.idx.add.s32.msk $0xffff, v2;
	v13 =	vshll.u32 v16, $0x7  }
0x280: {  	[tilespmem:v14+s18+$0x0] =	vst.idx.add.s32.msk $0xffff, v2;
	v13 =	vor.u32 v9, v13  }
0x281: {  	[tilespmem:v12+s18+$0x0] =	vst.idx.add.s32.msk $0xffff, v2  }
0x282: {  	v12 =	vshll.u32 v17, $0x7;
	[tilespmem:v15+s18+$0x0] =	vst.idx.add.s32.msk $0xffff, v2  }
0x283: {  	v12 =	vor.u32 v7, v12;
	v14 =	vshll.u32 v19, $0x7;
	[tilespmem:v18+s18+$0x0] =	vst.idx.add.s32.msk $0xffff, v2  }
0x284: {  	v14 =	vor.u32 v7, v14;
	v15 =	vld [tilespmem:s28+$0x150]  }
0x285: {  	[tilespmem:v13+s18+$0x0] =	vst.idx.add.s32.msk $0xffff, v2  }
0x286: {  	v13 =	vld [tilespmem:s28+$0x1D0]  }
0x287: {  	v16 =	vld [tilespmem:s28+$0x250]  }
0x288: {  	v17 =	vld [tilespmem:s28+$0x2D0]  }
0x289: {  	v15 =	vshll.u32 v15, $0x7;
	v18 =	vld [tilespmem:s28+$0x350]  }
0x28a: {  	[tilespmem:v12+s18+$0x0] =	vst.idx.add.s32.msk $0xffff, v2;
	v12 =	vor.u32 v7, v15  }
0x28b: {  	[tilespmem:v14+s18+$0x0] =	vst.idx.add.s32.msk $0xffff, v2;
	v13 =	vshll.u32 v13, $0x7  }
0x28c: {  	v14 =	vld [tilespmem:s28+$0x60];
	v13 =	vor.u32 v7, v13;
	v15 =	vshll.u32 v16, $0x7  }
0x28d: {  	v16 =	vld [tilespmem:s28+$0xE0];
	v15 =	vor.u32 v7, v15;
	v17 =	vshll.u32 v17, $0x7  }
0x28e: {  	v17 =	vor.u32 v7, v17;
	v18 =	vshll.u32 v18, $0x7;
	[tilespmem:v11+s18+$0x0] =	vst.idx.add.s32.msk $0xffff, v2  }
0x28f: {  	[tilespmem:v12+s18+$0x0] =	vst.idx.add.s32.msk $0xffff, v2;
	v11 =	vor.u32 v7, v18  }
0x290: {  	v12 =	vld [tilespmem:s28+$0x160]  }
0x291: {  	v14 =	vshll.u32 v14, $0x7;
	[tilespmem:v13+s18+$0x0] =	vst.idx.add.s32.msk $0xffff, v2  }
0x292: {  	v13 =	vor.u32 v8, v14;
	v14 =	vshll.u32 v16, $0x7;
	[tilespmem:v15+s18+$0x0] =	vst.idx.add.s32.msk $0xffff, v2  }
0x293: {  	v14 =	vor.u32 v8, v14;
	[tilespmem:v17+s18+$0x0] =	vst.idx.add.s32.msk $0xffff, v2  }
0x294: {  	[tilespmem:v11+s18+$0x0] =	vst.idx.add.s32.msk $0xffff, v2  }
0x295: {  	v11 =	vshll.u32 v12, $0x7;
	v12 =	vld [tilespmem:s28+$0x1E0]  }
0x296: {  	v11 =	vor.u32 v8, v11;
	v15 =	vld [tilespmem:s28+$0x260]  }
0x297: {  	v16 =	vld [tilespmem:s28+$0x2E0]  }
0x298: {  	v17 =	vld [tilespmem:s28+$0x360]  }
0x299: {  	[tilespmem:v13+s18+$0x0] =	vst.idx.add.s32.msk $0xffff, v2  }
0x29a: {  	[tilespmem:v14+s18+$0x0] =	vst.idx.add.s32.msk $0xffff, v2;
	v12 =	vshll.u32 v12, $0x7  }
0x29b: {  	[tilespmem:v11+s18+$0x0] =	vst.idx.add.s32.msk $0xffff, v2;
	v11 =	vor.u32 v8, v12;
	v12 =	vshll.u32 v15, $0x7  }
0x29c: {  	v13 =	vld [tilespmem:s28+$0x70];
	v12 =	vor.u32 v8, v12;
	v14 =	vshll.u32 v16, $0x7  }
0x29d: {  	v15 =	vld [tilespmem:s28+$0xF0];
	v14 =	vor.u32 v8, v14;
	v16 =	vshll.u32 v17, $0x7  }
0x29e: {  	v17 =	vld [tilespmem:s28+$0x170];
	v16 =	vor.u32 v8, v16  }
0x29f: {  	[tilespmem:v10+s18+$0x0] =	vst.idx.add.s32.msk $0xffff, v2  }
0x2a0: {  	[tilespmem:v11+s18+$0x0] =	vst.idx.add.s32.msk $0xffff, v2  }
.Ltmp3:
0x2a1: {  	v10 =	vshll.u32 v13, $0x7;
	[tilespmem:v12+s18+$0x0] =	vst.idx.add.s32.msk $0xffff, v2;
	(pc) =	sbr.rel @p1 .LBB2_9-.Ltmp3, $4  }
0x2a2: {  	v10 =	vor.u32 v9, v10;
	v11 =	vshll.u32 v15, $0x7;
	[tilespmem:v14+s18+$0x0] =	vst.idx.add.s32.msk $0xffff, v2  }
0x2a3: {  	v14 =	vor.u32 v9, v11;
	v11 =	vshll.u32 v17, $0x7;
	[tilespmem:v16+s18+$0x0] =	vst.idx.add.s32.msk $0xffff, v2  }
0x2a4: {  	v15 =	vor.u32 v9, v11;
	v11 =	vld [tilespmem:s28+$0x1F0]  }
0x2a5: {  	s28 =	sadd.s32 $0x400, s28;
	v12 =	vld [tilespmem:s25+$0x270]  }
0x2a6: {  	v13 =	vld [tilespmem:s25+$0x2F0]  }
0x2a7: {  	v16 =	vld [tilespmem:s25+$0x370];
	_ =	sdelay $0x1  }
0x2a8: {  	v11 =	vshll.u32 v11, $0x7  }
0x2a9: {  	v11 =	vor.u32 v9, v11;
	v12 =	vshll.u32 v12, $0x7  }
0x2aa: {  	v12 =	vor.u32 v9, v12;
	v13 =	vshll.u32 v13, $0x7  }
0x2ab: {  	[tilespmem:v10+s18+$0x0] =	vst.idx.add.s32.msk $0xffff, v2;
	v63 =	vshll.u32 v16, $0x7;
	v10 =	vor.u32 v9, v13  }
0x2ac: {  	[tilespmem:v14+s18+$0x0] =	vst.idx.add.s32.msk $0xffff, v2;
	v13 =	vor.u32 v9, v63  }
0x2ad: {  	[tilespmem:v15+s18+$0x0] =	vst.idx.add.s32.msk $0xffff, v2  }
0x2ae: {  	s22 =	sadd.s32 $0x1, s22;
	[tilespmem:v11+s18+$0x0] =	vst.idx.add.s32.msk $0xffff, v2  }
0x2af: {  	p1 =	sne.s32 s22, $0x8;
	[tilespmem:v12+s18+$0x0] =	vst.idx.add.s32.msk $0xffff, v2  }
.Ltmp4:
0x2b0: {  	s23 =	sadd.s32 @!p2 s23, s9;
	[tilespmem:v10+s18+$0x0] =	vst.idx.add.s32.msk $0xffff, v2;
	(pc) =	sbr.rel @p1 .LBB2_2-.Ltmp4, $4  }
0x2b1: {  	s25 =	simm.s32 @!p2 $0x80;
	s26 =	simm.s32 @!p2 $0x1000;
	s28 =	simm.s32 @!p2 $0x4000;
	[tilespmem:v13+s18+$0x0] =	vst.idx.add.s32.msk $0xffff, v2  }
0x2b2: {  	[tilespmem:s28], [sflag:$0x2] =	stream.strided.gather @!p2 [hbm4b:s23+s25], $0x4000, s26, s25, $0x38;
	[tilespmem:$0x18000] =	vst v63  }
0x2b3: {  	s31 =	sadd.s32 s24, s10  }
0x2b4: {  	[hbm4b:s31+s12] =	stream.strided.scatter [tilespmem:s18], [sflag:$0x4], $0x8000, s13, s12, $0x38;
	[tilespmem:$0x18000] =	vst v63  }
0x2b5: {  	s21 =	sadd.s32 $0x1, s21  }
0x2b6: {  	_ =	swait.ge [sflag:s19], $0x8000;
	p1 =	sne.s32 s21, s11  }
.Ltmp5:
0x2b7: {  	[sflag:s19] =	ssyncset.done $0x0;
	(pc) =	sbr.rel @p1 .LBB2_1-.Ltmp5, $4  }
0x2b8: {  	[sflag:s19] =	ssyncadd.s32 $0xFFFF8000  }
0x2b9: {  	_ =	swait.ge [sflag:s20], $0x8000  }
0x2ba: {  	[sflag:s20] =	ssyncset.done $0x0  }
0x2bb: {  	[sflag:s20] =	ssyncadd.s32 $0xFFFF8000  }
0x2bc: {  	_ =	sfence.sel $0x180000  }
0x2bd: {  	[bflag:$0x0] =	sbarrier.arrive $0xFFFF  }
0x2be: {  	p0 =	sne.s32 s1, $0x0;
	_ =	strace $0x9000004A  }
0x2bf: {  	s0 =	sadd.s32 @!p0 $0x100000, s0;
	[bflag:$0x2] =	sbarrier.arrive $0xFFFF  }
0x2c0: {  	[sflag:s0] =	ssyncadd.tile.s32 @!p0 $0x1;
	_ =	shalt  }
.Lfunc_end2:
_tile_overlayer_lowered:
.L_overlay_start_2:
0x2c1: {  	(tag) =	ssettag $0x2  }
0x2c2: {  	s0 =	rddreg [dreg:$0x0];
	s2 =	stileid.u32  }
0x2c3: {  	s1 =	rddreg [dreg:$0x1];
	p0 =	sne.s32 s2, $0x0  }
0x2c4: {  	s3 =	rddreg [dreg:$0x2];
	[bflag:$0x3] =	sbarrier.arrive $0xFFFF;
	s2 =	simm.s32 @!p0 $0x1C05  }
0x2c5: {  	[timem:s3], [sflag:s2] =	dma.local @!p0 [hbm:s0], s1  }
0x2c6: {  	s0 =	simm.s32 @!p0 $0x5  }
0x2c7: {  	_ =	swait.ge @!p0 [sflag:s0], s1  }
0x2c8: {  	s1 =	ssub.s32 @!p0 $0x0, s1;
	[sflag:s0] =	ssyncset.done @!p0 $0x0  }
0x2c9: {  	[sflag:s0] =	ssyncadd.s32 @!p0 s1  }
0x2ca: {  	[bflag:$0x3] =	sbarrier.arrive $0xFFFF  }
0x2cb: {  	_ =	shalt  }

// kernel: sparse-core-data-format-call.1.cloned.1.call-start
scs
called_computation.1_lowered:
.L_overlay_start_0:
0x0: {  	s2 =	sld [smem:$0x3FD9]  }
0x1: {  	s3 =	sld [smem:$0x3FFE];
	_ =	sdelay $0x1  }
0x2: {  	s1 =	srdreg.scid  }
0x3: {  	s0 =	sand.u32 $0x1, s1  }
0x4: {  	s19 =	sshll.u32 s0, $0xA;
	s2 =	sadd.s32 s3, s2  }
0x5: {  	s2 =	sadd.s32 s2, s19  }
0x6: {  	[smem:$0x3FC7] =	sst s2  }
0x7: {  	_ = 	snop  }
0x8: {  	s2 =	sld [smem:$0x3FC9]  }
0x9: {  	s20 =	sld [smem:$0x3FD0];
	(tm) =	ssettm $0x1  }
0xa: {  	s4 =	sld [smem:$0x3FFB];
	_ =	sdelay $0x3  }
0xb: {  	_ =	strace s4  }
0xc: {  	s4 =	sld [smem:$0x3FFC];
	_ =	sdelay $0x3  }
0xd: {  	_ =	strace s4  }
0xe: {  	s4 =	sld [smem:$0x3FFD];
	_ =	sdelay $0x3  }
0xf: {  	_ =	strace s4  }
0x10: {  	_ =	strace $0x8FFFFFFF  }
0x11: {  	s21 =	sld [smem:$0x3FDB];
	_ =	sdelay $0x1  }
0x12: {  	s5 =	simm.s32 $_scs_section_size  }
0x13: {  	s6 =	simm.s32 $_size__tile_overlayer_lowered;
	s7 =	simm.s32 $_tile_overlayer_lowered  }
0x14: {  	s24 =	simm.s32 $0x1BFF;
	s23 =	sshll.u32 s7, $0x1;
	s4 =	sadd.s32 s5, s21  }
0x15: {  	s8 =	simm.s32 $0x0;
	s22 =	sshll.u32 s6, $0x1;
	s6 =	sadd.s32 s23, s4  }
0x16: {  	[timem:s8], [sflag:s24] =	dma.local [hbm:s6], s22  }
0x17: {  	_ =	swait.ge [sflag:s24], s22  }
0x18: {  	s5 =	ssub.s32 $0x0, s22;
	[sflag:s24] =	ssyncset.done $0x0  }
0x19: {  	[sflag:s24] =	ssyncadd.s32 s5;
	_ =	sdelay $0x1  }
0x1a: {  	s25 =	simm.s32 $0x1B8B  }
0x1b: {  	_ =	swait.ge [sflag:s25], $0x1  }
0x1c: {  	[sflag:s25] =	ssyncset.done $0x0  }
0x1d: {  	s26 =	simm.s32 $0x1B8E;
	[sflag:s25] =	ssyncadd.s32 $0xFFFFFFFF  }
0x1e: {  	s27 =	simm.s32 $execute0_lowered;
	[smem:$0x3FD2] =	sst s26  }
0x1f: {  	s5 =	sshll.u32 s27, $0x1;
	_ =	strace $0x80000046;
	[dreg:$0x1] =	wrdreg $0xFFFFFFFF  }
0x20: {  	s28 =	simm.s32 $_size_execute0_lowered;
	s4 =	sadd.s32 s4, s5;
	[dreg:$0x0] =	wrdreg $0x0  }
0x21: {  	s5 =	sshll.u32 s28, $0x1;
	[dreg:$0x2] =	wrdreg s4  }
0x22: {  	[dreg:$0x3] =	wrdreg s5  }
0x23: {  	[dreg:$0x4] =	wrdreg $0xC0  }
0x24: {  	_ =	task [dreg:s8], $0x5FFFF  }
0x25: {  	[dreg:$0x1] =	wrdreg $0xFFFFFFFF  }
0x26: {  	[dreg:$0x0] =	wrdreg $0x60  }
0x27: {  	[dreg:$0x2] =	wrdreg s2  }
0x28: {  	[dreg:$0x3] =	wrdreg s20  }
0x29: {  	[dreg:$0x4] =	wrdreg $0x9  }
0x2a: {  	_ =	task.clear_ibuf [dreg:s8], $0x5FFFF;
	_ =	strace $0x90000046  }
0x2b: {  	s29 =	simm.s32 $0x9;
	_ =	strace $0x80000048  }
0x2c: {  	_ =	swait.ge [sflag:s29], $0x1  }
0x2d: {  	[sflag:s29] =	ssyncadd.s32 $0xFFFFFFFF  }
0x2e: {  	_ =	strace $0x90000048  }
0x2f: {  	_ =	sfence  }
0x30: {  	s30 =	sld [smem:$0x0];
	_ =	sdelay $0x2  }
0x31: {  	s31 =	sshll.u32 s1, $0xD;
	s1 =	sshrl.u32 s1, $0x2  }
0x32: {  	s3 =	sand.u32 $0x4000, s31;
	s1 =	sadd.s32 s1, s30  }
0x33: {  	s0 =	sor.u32 s3, s0;
	s1 =	sshll.u32 s1, $0x11  }
0x34: {  	s0 =	sor.u32 s1, s0  }
0x35: {  	s0 =	sadd.s32 $0x8F2B, s0  }
0x36: {  	[sflag:s0] =	ssyncadd.remote.s32 $0x1  }
0x37: {  	_ =	sfence.sel $0xFFFF  }
0x38: {  	[dreg:$0x0] =	wrdreg $0xFFFFFFFF;
	(pc) =	sbr.abs _section_cstart, $3  }
0x39: {  	[dreg:$0x1] =	wrdreg $0xFFFFFFFF  }
0x3a: {  	_ =	task.clear_ibuf [dreg:s8], $0x2FFFF;
	_ =	strace $0x9FFFFFFF  }
0x3b: {  	(tm) =	ssettm $0x7FFFFFFF  }
tec
execute0_lowered:
.L_overlay_start_1:
0x0: {  	(tag) =	ssettag $0x1  }
0x1: {  	s2 =	rddreg [dreg:$0x0]  }
0x2: {  	s3 =	rddreg [dreg:$0x1];
	s1 =	srdreg.scid  }
0x3: {  	s0 =	rddreg [dreg:$0x2];
	_ =	strace $0x80000047;
	s5 =	simm.s32 $0x1  }
0x4: {  	s8 =	simm.s32 $0x2;
	s13 =	simm.s32 $0x0;
	p0 =	por $0x0, $0x0  }
.Ltmp0:
0x5: {  	s9 =	simm.s32 $0x1000;
	s4 =	sand.u32 $0x1, s1;
	(pc) =	sbr.rel .LBB1_1-.Ltmp0, $4  }
0x6: {  	s14 =	simm.s32 $0x0;
	s11 =	stileid.u32;
	s6 =	ssub.s32 $0x20, s4  }
0x7: {  	s12 =	simm.s32 $0x0;
	[sflag:s5] =	ssyncpa.u1 $0x0;
	s7 =	sshrl.u32 s6, $0x1  }
0x8: {  	s1 =	stileid.u32;
	[sflag:s8] =	ssyncpa.u1 $0x0;
	s6 =	ssub.s32 s6, s7  }
0x9: {  	s8 =	simm.s32 $0x80;
	s10 =	smov.u32 s4;
	s7 =	sadd.s32 $0x1, s6  }
.LBB1_4:
0xa: {  	v5 =	vld [tilespmem:s18+$0xFFFFFFD0];
	[tilespmem:s17+$0x2040 ss:$0x81] =	vst.msk $0xffff, v1  }
0xb: {  	v58 =	vld [tilespmem:s18+$0xFFFFFFE0];
	[tilespmem:s17+$0x2850 ss:$0x81] =	vst.msk $0xffff, v2  }
0xc: {  	s19 =	sshra.s32 s19, $0x2;
	v59 =	vld [tilespmem:s18+$0xFFFFFFF0];
	[tilespmem:s17+$0x3060 ss:$0x81] =	vst.msk $0xffff, v3  }
0xd: {  	v60 =	vld [tilespmem:s18+$0x0];
	[tilespmem:s17+$0x0 ss:$0x81] =	vst.msk $0xffff, v0;
	s16 =	sadd.s32 s19, s16  }
0xe: {  	v61 =	vld [tilespmem:s18+$0x10];
	[tilespmem:s16+$0x3870 ss:$0x81] =	vst.msk $0xffff, v4  }
0xf: {  	v62 =	vld [tilespmem:s18+$0x20];
	[tilespmem:s16+$0x810 ss:$0x81] =	vst.msk $0xffff, v5  }
0x10: {  	v63 =	vld [tilespmem:s18+$0xFFFFFFC0];
	[tilespmem:s16+$0x1020 ss:$0x81] =	vst.msk $0xffff, v58  }
0x11: {  	[tilespmem:s16+$0x1830 ss:$0x81] =	vst.msk $0xffff, v59  }
0x12: {  	[tilespmem:s16+$0x2040 ss:$0x81] =	vst.msk $0xffff, v60  }
0x13: {  	s14 =	sshll.u32 s14, $0x10;
	s13 =	sshll.u32 s13, $0x4;
	[tilespmem:s16+$0x2850 ss:$0x81] =	vst.msk $0xffff, v61  }
0x14: {  	s13 =	sand.u32 $0x1F0, s13;
	s14 =	sadd.s32 s3, s14;
	[tilespmem:s16+$0x3060 ss:$0x81] =	vst.msk $0xffff, v62  }
0x15: {  	s13 =	sadd.s32 s13, s14;
	[tilespmem:s16+$0x0 ss:$0x81] =	vst.msk $0xffff, v63  }
0x16: {  	[hbm4b:s13+s8] =	stream.strided.scatter [tilespmem:s15], [sflag:$0x2], $0x4000, s9, s8, $0x20;
	[tilespmem:$0x10100] =	vst v63  }
.LBB1_5:
0x17: {  	s15 =	sadd.s32 $0x2, s10  }
0x18: {  	s13 =	sadd.s32 $0x10, s11;
	s17 =	smov.u32 s11;
	p2 =	sgt.s32 s15, $0x1F  }
0x19: {  	s17 =	smov.u32 @p2 s13  }
0x1a: {  	s15 =	smov.u32 @p2 s4;
	p2 =	sgt.s32 s17, $0xF  }
0x1b: {  	s17 =	smov.u32 @p2 s1;
	p2 =	sne.s32 s12, s7  }
.Ltmp1:
0x1c: {  	p1 =	slt.u32 s12, $0x2;
	(pc) =	sbr.rel @!p2 .LBB1_6-.Ltmp1, $4  }
0x1d: {  	s16 =	simm.s32 @!p1 $0x2  }
0x1e: {  	s14 =	smov.u32 s11;
	p0 =	por !p0, !p0;
	_ =	swait.ge @!p1 [sflag:s16], $0x4000  }
0x1f: {  	s13 =	smov.u32 s10;
	[sflag:s16] =	ssyncset.done @!p1 $0x0;
	s10 =	smov.u32 s15  }
0x20: {  	s12 =	sadd.s32 $0x1, s12;
	[sflag:s16] =	ssyncadd.s32 @!p1 $0xFFFFC000;
	s11 =	smov.u32 s17  }
.LBB1_1:
0x21: {  	p1 =	sge.u32 s12, s6  }
0x22: {  	s31 =	sadd.s32 $0xFFFFFFFF, s12;
	s15 =	sxor.u32 @!p1 $0xFFFFFFFF, s12;
	s16 =	sshll.u32 @!p1 s11, $0x10  }
0x23: {  	s17 =	sshll.u32 @!p1 s10, $0xB;
	s15 =	sshll.u32 @!p1 s15, $0xE;
	s16 =	sadd.s32 @!p1 s2, s16  }
0x24: {  	s15 =	sand.u32 @!p1 $0x4000, s15;
	s16 =	sadd.s32 @!p1 s17, s16;
	s17 =	simm.s32 @!p1 $0x0  }
0x25: {  	[tilespmem:s15], [sflag:$0x1] =	stream.linear.gather @!p1 [hbm4b:s16+s17], $0x4000, $0x38;
	[tilespmem:$0x10100] =	vst v63  }
0x26: {  	p1 =	sge.u32 s31, s6  }
.Ltmp2:
0x27: {  	_ = 	snop;
	(pc) =	sbr.rel @p1 .LBB1_5-.Ltmp2, $1  }
0x28: {  	_ =	sdelay $0x3  }
0x29: {  	s15 =	simm.s32 $0x1  }
0x2a: {  	_ =	swait.ge [sflag:s5], $0x4000;
	s15 =	simm.s32 @!p0 $0x0  }
0x2b: {  	[sflag:s5] =	ssyncset.done $0x0;
	s16 =	sshll.u32 s15, $0xE  }
0x2c: {  	[sflag:s5] =	ssyncadd.s32 $0xFFFFC000;
	s18 =	sor.u32 $0x40, s16  }
0x2d: {  	s15 =	smul.u32 $0x10200, s15;
	v0 =	vld [tilespmem:s18+$0x30]  }
0x2e: {  	v3 =	vld [tilespmem:s18+$0xFFFFFFD0]  }
0x2f: {  	s15 =	sshrl.u32 s15, $0x2;
	v4 =	vld [tilespmem:s18+$0xFFFFFFE0]  }
0x30: {  	v5 =	vld [tilespmem:s18+$0xFFFFFFF0];
	s16 =	sor.u32 $0x8000, s15  }
0x31: {  	s31 =	sand.u32 $0x1, s12;
	v1 =	vld [tilespmem:s18+$0x0];
	s17 =	sadd.s32 $0x0, s16  }
0x32: {  	v2 =	vld [tilespmem:s18+$0x10];
	s15 =	smul.u32 $0x10200, s31;
	[tilespmem:s17+$0x3870 ss:$0x81] =	vst.msk $0xffff, v0  }
0x33: {  	[tilespmem:s17+$0x810 ss:$0x81] =	vst.msk $0xffff, v3;
	v3 =	vld [tilespmem:s18+$0x20]  }
0x34: {  	s15 =	sshrl.u32 s15, $0x2;
	v0 =	vld [tilespmem:s18+$0xFFFFFFC0];
	[tilespmem:s17+$0x1020 ss:$0x81] =	vst.msk $0xffff, v4;
	s18 =	sadd.s32 $0x80, s18  }
0x35: {  	s19 =	simm.s32 $0x4;
	s20 =	simm.s32 $0x8;
	s15 =	sor.u32 $0x8000, s15;
	[tilespmem:s17+$0x1830 ss:$0x81] =	vst.msk $0xffff, v5;
	v4 =	vld [tilespmem:s18+$0x30]  }
.LBB1_3:
0x36: {  	p1 =	sne.s32 s20, $0x1FC;
	v5 =	vld [tilespmem:s18+$0xFFFFFFD0];
	[tilespmem:s17+$0x2040 ss:$0x81] =	vst.msk $0xffff, v1  }
0x37: {  	v6 =	vld [tilespmem:s18+$0xFFFFFFE0];
	[tilespmem:s17+$0x2850 ss:$0x81] =	vst.msk $0xffff, v2  }
0x38: {  	s21 =	sshra.s32 s19, $0x2;
	s19 =	smov.u32 s20;
	v7 =	vld [tilespmem:s18+$0xFFFFFFF0];
	[tilespmem:s17+$0x3060 ss:$0x81] =	vst.msk $0xffff, v3  }
.Ltmp3:
0x39: {  	v1 =	vld [tilespmem:s18+$0x0];
	[tilespmem:s17+$0x0 ss:$0x81] =	vst.msk $0xffff, v0;
	s17 =	sadd.s32 s21, s16;
	(pc) =	sbr.rel @p1 .LBB1_3-.Ltmp3, $4  }
0x3a: {  	v2 =	vld [tilespmem:s18+$0x10];
	[tilespmem:s17+$0x3870 ss:$0x81] =	vst.msk $0xffff, v4  }
0x3b: {  	[tilespmem:s17+$0x810 ss:$0x81] =	vst.msk $0xffff, v5;
	v3 =	vld [tilespmem:s18+$0x20]  }
0x3c: {  	v0 =	vld [tilespmem:s18+$0xFFFFFFC0];
	[tilespmem:s17+$0x1020 ss:$0x81] =	vst.msk $0xffff, v6;
	s18 =	sadd.s32 $0x80, s18  }
0x3d: {  	s20 =	sadd.s32 $0x4, s20;
	v4 =	vld [tilespmem:s18+$0x30];
	[tilespmem:s17+$0x1830 ss:$0x81] =	vst.msk $0xffff, v7  }
.Ltmp4:
0x3e: {  	_ = 	snop;
	(pc) =	sbr.rel .LBB1_4-.Ltmp4, $1  }
0x3f: {  	_ =	sdelay $0x3  }
.LBB1_6:
0x40: {  	_ =	sfence.sel $0x180000  }
0x41: {  	s2 =	simm.s32 $0x1;
	[bflag:$0x0] =	sbarrier.arrive $0xFFFF  }
0x42: {  	s31 =	simm.s32 $0x2;
	[sflag:s2] =	ssyncpa.u1 $0x1  }
0x43: {  	[sflag:s31] =	ssyncpa.u1 $0x1  }
0x44: {  	p0 =	sne.s32 s1, $0x0;
	_ =	strace $0x90000047  }
0x45: {  	s0 =	sadd.s32 @!p0 $0x100000, s0;
	[bflag:$0x2] =	sbarrier.arrive $0xFFFF  }
0x46: {  	[sflag:s0] =	ssyncadd.tile.s32 @!p0 $0x1;
	_ =	shalt  }
.Lfunc_end1:
_tile_overlayer_lowered:
.L_overlay_start_2:
0x47: {  	(tag) =	ssettag $0x2  }
0x48: {  	s0 =	rddreg [dreg:$0x0];
	s2 =	stileid.u32  }
0x49: {  	s1 =	rddreg [dreg:$0x1];
	p0 =	sne.s32 s2, $0x0  }
0x4a: {  	s3 =	rddreg [dreg:$0x2];
	[bflag:$0x3] =	sbarrier.arrive $0xFFFF;
	s2 =	simm.s32 @!p0 $0x1C01  }
0x4b: {  	[timem:s3], [sflag:s2] =	dma.local @!p0 [hbm:s0], s1  }
0x4c: {  	s0 =	simm.s32 @!p0 $0x1  }
0x4d: {  	_ =	swait.ge @!p0 [sflag:s0], s1  }
0x4e: {  	s1 =	ssub.s32 @!p0 $0x0, s1;
	[sflag:s0] =	ssyncset.done @!p0 $0x0  }
0x4f: {  	[sflag:s0] =	ssyncadd.s32 @!p0 s1  }
0x50: {  	[bflag:$0x3] =	sbarrier.arrive $0xFFFF  }
0x51: {  	_ =	shalt  }

// kernel: sparse-core-data-format-call.cloned.1.call-start
scs
called_computation_lowered:
.L_overlay_start_0:
0x0: {  	s2 =	sld [smem:$0x3FD9]  }
0x1: {  	s3 =	sld [smem:$0x3FFE];
	_ =	sdelay $0x1  }
0x2: {  	s1 =	srdreg.scid  }
0x3: {  	s0 =	sand.u32 $0x1, s1  }
0x4: {  	s18 =	sshll.u32 s0, $0xA;
	s2 =	sadd.s32 s3, s2  }
0x5: {  	s2 =	sadd.s32 s2, s18  }
0x6: {  	[smem:$0x3FC7] =	sst s2  }
0x7: {  	_ = 	snop  }
0x8: {  	s2 =	sld [smem:$0x3FD0];
	(tm) =	ssettm $0x1  }
0x9: {  	s19 =	sld [smem:$0x3FFB];
	_ =	sdelay $0x3  }
0xa: {  	_ =	strace s19  }
0xb: {  	s3 =	sld [smem:$0x3FFC];
	_ =	sdelay $0x3  }
0xc: {  	_ =	strace s3  }
0xd: {  	s3 =	sld [smem:$0x3FFD];
	_ =	sdelay $0x3  }
0xe: {  	_ =	strace s3  }
0xf: {  	_ =	strace $0x8FFFFFFF  }
0x10: {  	s20 =	sld [smem:$0x3FDB];
	_ =	sdelay $0x1  }
0x11: {  	s4 =	simm.s32 $_scs_section_size  }
0x12: {  	s5 =	simm.s32 $_size__tile_overlayer_lowered;
	s6 =	simm.s32 $_tile_overlayer_lowered  }
0x13: {  	s23 =	simm.s32 $0x1BFF;
	s22 =	sshll.u32 s6, $0x1;
	s3 =	sadd.s32 s4, s20  }
0x14: {  	s7 =	simm.s32 $0x0;
	s21 =	sshll.u32 s5, $0x1;
	s5 =	sadd.s32 s22, s3  }
0x15: {  	[timem:s7], [sflag:s23] =	dma.local [hbm:s5], s21  }
0x16: {  	_ =	swait.ge [sflag:s23], s21  }
0x17: {  	s4 =	ssub.s32 $0x0, s21;
	[sflag:s23] =	ssyncset.done $0x0  }
0x18: {  	[sflag:s23] =	ssyncadd.s32 s4;
	_ =	sdelay $0x1  }
0x19: {  	s24 =	simm.s32 $0x1B8B  }
0x1a: {  	_ =	swait.ge [sflag:s24], $0x1  }
0x1b: {  	[sflag:s24] =	ssyncset.done $0x0  }
0x1c: {  	s26 =	simm.s32 $0x1B8E;
	s25 =	sld [smem:$0x3FFE];
	[sflag:s24] =	ssyncadd.s32 $0xFFFFFFFF  }
0x1d: {  	s27 =	simm.s32 $execute0_lowered;
	[smem:$0x3FD2] =	sst s26  }
0x1e: {  	s5 =	sshll.u32 s27, $0x1;
	_ =	strace $0x8000004C;
	[dreg:$0x1] =	wrdreg $0xFFFFFFFF  }
0x1f: {  	s28 =	simm.s32 $_size_execute0_lowered;
	s3 =	sadd.s32 s3, s5;
	[dreg:$0x0] =	wrdreg $0x0  }
0x20: {  	s5 =	sshll.u32 s28, $0x1;
	[dreg:$0x2] =	wrdreg s3  }
0x21: {  	[dreg:$0x3] =	wrdreg s5  }
0x22: {  	[dreg:$0x4] =	wrdreg $0xC0  }
0x23: {  	_ =	task [dreg:s7], $0x5FFFF  }
0x24: {  	[dreg:$0x1] =	wrdreg $0xFFFFFFFF  }
0x25: {  	[dreg:$0x0] =	wrdreg $0x60  }
0x26: {  	[dreg:$0x2] =	wrdreg s25  }
0x27: {  	[dreg:$0x3] =	wrdreg s2  }
0x28: {  	[dreg:$0x4] =	wrdreg $0x9  }
0x29: {  	_ =	task.clear_ibuf [dreg:s7], $0x5FFFF;
	_ =	strace $0x9000004C  }
0x2a: {  	s29 =	simm.s32 $0x9;
	_ =	strace $0x8000004E  }
0x2b: {  	_ =	swait.ge [sflag:s29], $0x1  }
0x2c: {  	[sflag:s29] =	ssyncadd.s32 $0xFFFFFFFF  }
0x2d: {  	_ =	strace $0x9000004E  }
0x2e: {  	_ =	sfence  }
0x2f: {  	s30 =	sld [smem:$0x0];
	_ =	sdelay $0x2  }
0x30: {  	s31 =	sshll.u32 s1, $0xD;
	s1 =	sshrl.u32 s1, $0x2  }
0x31: {  	s3 =	sand.u32 $0x4000, s31;
	s1 =	sadd.s32 s1, s30  }
0x32: {  	s0 =	sor.u32 s3, s0;
	s1 =	sshll.u32 s1, $0x11  }
0x33: {  	s0 =	sor.u32 s1, s0  }
0x34: {  	s0 =	sadd.s32 $0x8F2B, s0  }
0x35: {  	[sflag:s0] =	ssyncadd.remote.s32 $0x1  }
0x36: {  	_ =	sfence.sel $0xFFFF  }
0x37: {  	[dreg:$0x0] =	wrdreg $0xFFFFFFFF;
	(pc) =	sbr.abs _section_cstart, $3  }
0x38: {  	[dreg:$0x1] =	wrdreg $0xFFFFFFFF  }
0x39: {  	_ =	task.clear_ibuf [dreg:s7], $0x2FFFF;
	_ =	strace $0x9FFFFFFF  }
0x3a: {  	(tm) =	ssettm $0x7FFFFFFF  }
0x3b: {  	_ =	shalt  }
tec
execute0_lowered:
.L_overlay_start_1:
0x0: {  	(tag) =	ssettag $0x1  }
0x1: {  	s3 =	rddreg [dreg:$0x0]  }
0x2: {  	s0 =	srdreg.scid;
	s1 =	rddreg [dreg:$0x1]  }
0x3: {  	s5 =	simm.s32 $0x1;
	s7 =	simm.s32 $0x2;
	s14 =	simm.s32 $0x0  }
0x4: {  	p0 =	por $0x0, $0x0;
	s8 =	simm.s32 $0x800;
	s0 =	sshll.u32 s0, $0x7  }
0x5: {  	s13 =	simm.s32 $0x0;
	s15 =	simm.s32 $0x0;
	s2 =	sand.u32 $0x80, s0  }
0x6: {  	s9 =	simm.s32 $0x0;
	s11 =	stileid.u32;
	s6 =	ssub.s32 $0x100, s2  }
.Ltmp0:
0x7: {  	s12 =	simm.s32 $0x0;
	s31 =	sshrl.u32 s6, $0x7;
	(pc) =	sbr.rel .LBB1_1-.Ltmp0, $4  }
0x8: {  	s4 =	sadd.s32 $0xC00, s3;
	s6 =	sshrl.u32 s6, $0x8;
	s3 =	sand.u32 $0x1, s31  }
0x9: {  	s0 =	rddreg [dreg:$0x2];
	_ =	strace $0x8000004D;
	s6 =	sadd.s32 s6, s3  }
0xa: {  	[sflag:s5] =	ssyncpa.u1 $0x0;
	s10 =	smov.u32 s2;
	s6 =	sshll.u32 s6, $0x5  }
0xb: {  	[sflag:s7] =	ssyncpa.u1 $0x0;
	s3 =	stileid.u32;
	s7 =	sor.u32 $0x1, s6  }
.LBB1_4:
0xc: {  	v5 =	vld [tilespmem:s19+$0xFFFFFFD0];
	[tilespmem:s18+$0x2040 ss:$0x81] =	vst.msk $0xffff, v1  }
0xd: {  	v58 =	vld [tilespmem:s19+$0xFFFFFFE0];
	[tilespmem:s18+$0x2850 ss:$0x81] =	vst.msk $0xffff, v2  }
0xe: {  	s20 =	sshra.s32 s20, $0x2;
	v59 =	vld [tilespmem:s19+$0xFFFFFFF0];
	[tilespmem:s18+$0x3060 ss:$0x81] =	vst.msk $0xffff, v3  }
0xf: {  	v60 =	vld [tilespmem:s19+$0x0];
	[tilespmem:s18+$0x0 ss:$0x81] =	vst.msk $0xffff, v0;
	s17 =	sadd.s32 s20, s17  }
0x10: {  	v61 =	vld [tilespmem:s19+$0x10];
	[tilespmem:s17+$0x3870 ss:$0x81] =	vst.msk $0xffff, v4  }
0x11: {  	v62 =	vld [tilespmem:s19+$0x20];
	[tilespmem:s17+$0x810 ss:$0x81] =	vst.msk $0xffff, v5  }
0x12: {  	v63 =	vld [tilespmem:s19+$0xFFFFFFC0];
	[tilespmem:s17+$0x1020 ss:$0x81] =	vst.msk $0xffff, v58  }
0x13: {  	s15 =	sshll.u32 s15, $0x11;
	[tilespmem:s17+$0x1830 ss:$0x81] =	vst.msk $0xffff, v59  }
0x14: {  	s28 =	sand.u32 $0xF80, s13;
	s14 =	sshll.u32 s14, $0xC;
	s15 =	sadd.s32 s1, s15;
	[tilespmem:s17+$0x2040 ss:$0x81] =	vst.msk $0xffff, v60  }
0x15: {  	s29 =	sshrl.u32 s13, $0x3;
	s30 =	sand.u32 $0x7, s13;
	s15 =	sadd.s32 s28, s15;
	[tilespmem:s17+$0x2850 ss:$0x81] =	vst.msk $0xffff, v61  }
0x16: {  	s31 =	sand.u32 $0xF, s29;
	s13 =	sshll.u32 s30, $0x12;
	s14 =	sadd.s32 s14, s15;
	[tilespmem:s17+$0x3060 ss:$0x81] =	vst.msk $0xffff, v62  }
0x17: {  	s13 =	sor.u32 $0x400, s13;
	s14 =	sadd.s32 s31, s14;
	[tilespmem:s17+$0x0 ss:$0x81] =	vst.msk $0xffff, v63  }
0x18: {  	[hbm4b:s14+s13] =	stream.strided.scatter [tilespmem:s16], [sflag:$0x2], $0x4000, s8, s13, $0x20;
	[tilespmem:$0x10100] =	vst v63  }
.LBB1_5:
0x19: {  	s16 =	sadd.s32 $0x1, s9  }
0x1a: {  	s13 =	sadd.s32 $0x100, s10;
	s17 =	smov.u32 s10;
	p2 =	sgt.s32 s16, $0x1F  }
0x1b: {  	s17 =	smov.u32 @p2 s13  }
0x1c: {  	s19 =	smov.u32 s11;
	s13 =	sadd.s32 $0x10, s11;
	p3 =	sgt.s32 s17, $0xFF  }
0x1d: {  	s19 =	smov.u32 @p3 s13  }
0x1e: {  	s16 =	simm.s32 @p2 $0x0;
	p2 =	sgt.s32 s19, $0xF  }
0x1f: {  	p1 =	slt.u32 s12, $0x2;
	s19 =	smov.u32 @p2 s3;
	p2 =	sne.s32 s12, s7  }
.Ltmp1:
0x20: {  	s18 =	simm.s32 @!p1 $0x2;
	(pc) =	sbr.rel @!p2 .LBB1_6-.Ltmp1, $4  }
0x21: {  	s14 =	smov.u32 s9;
	s15 =	smov.u32 s11;
	_ =	swait.ge @!p1 [sflag:s18], $0x4000  }
0x22: {  	p0 =	por !p0, !p0;
	[sflag:s18] =	ssyncset.done @!p1 $0x0;
	s9 =	smov.u32 s16  }
0x23: {  	s17 =	smov.u32 @p3 s2;
	s13 =	smov.u32 s10;
	[sflag:s18] =	ssyncadd.s32 @!p1 $0xFFFFC000  }
0x24: {  	s10 =	smov.u32 s17;
	s12 =	sadd.s32 $0x1, s12;
	s11 =	smov.u32 s19  }
.LBB1_1:
0x25: {  	p1 =	sge.u32 s12, s6;
	s31 =	sadd.s32 $0xFFFFFFFF, s12  }
0x26: {  	s16 =	sxor.u32 @!p1 $0xFFFFFFFF, s12;
	s17 =	sshll.u32 @!p1 s11, $0x11;
	s18 =	sshll.u32 @!p1 s10, $0x9  }
0x27: {  	s19 =	sshll.u32 @!p1 s9, $0x4;
	s16 =	sshll.u32 @!p1 s16, $0xE;
	s17 =	sadd.s32 @!p1 s4, s17  }
0x28: {  	s19 =	sand.u32 @!p1 $0x1F0, s19;
	s16 =	sand.u32 @!p1 $0x4000, s16;
	s17 =	sadd.s32 @!p1 s18, s17  }
0x29: {  	s18 =	simm.s32 @!p1 $0x80;
	s17 =	sadd.s32 @!p1 s19, s17;
	s19 =	simm.s32 @!p1 $0x1000  }
0x2a: {  	[tilespmem:s16], [sflag:$0x1] =	stream.strided.gather @!p1 [hbm4b:s17+s18], $0x4000, s19, s18, $0x38;
	[tilespmem:$0x10100] =	vst v63  }
0x2b: {  	p1 =	sge.u32 s31, s6  }
.Ltmp2:
0x2c: {  	_ = 	snop;
	(pc) =	sbr.rel @p1 .LBB1_5-.Ltmp2, $1  }
0x2d: {  	_ =	sdelay $0x3  }
0x2e: {  	s16 =	simm.s32 $0x1  }
0x2f: {  	_ =	swait.ge [sflag:s5], $0x4000;
	s16 =	simm.s32 @!p0 $0x0  }
0x30: {  	[sflag:s5] =	ssyncset.done $0x0;
	s17 =	sshll.u32 s16, $0xE  }
0x31: {  	[sflag:s5] =	ssyncadd.s32 $0xFFFFC000;
	s19 =	sor.u32 $0x40, s17  }
0x32: {  	s16 =	smul.u32 $0x10200, s16;
	v0 =	vld [tilespmem:s19+$0x30]  }
0x33: {  	v3 =	vld [tilespmem:s19+$0xFFFFFFD0]  }
0x34: {  	s16 =	sshrl.u32 s16, $0x2;
	v4 =	vld [tilespmem:s19+$0xFFFFFFE0]  }
0x35: {  	v5 =	vld [tilespmem:s19+$0xFFFFFFF0];
	s17 =	sor.u32 $0x8000, s16  }
0x36: {  	s31 =	sand.u32 $0x1, s12;
	v1 =	vld [tilespmem:s19+$0x0];
	s18 =	sadd.s32 $0x0, s17  }
0x37: {  	v2 =	vld [tilespmem:s19+$0x10];
	s16 =	smul.u32 $0x10200, s31;
	[tilespmem:s18+$0x3870 ss:$0x81] =	vst.msk $0xffff, v0  }
0x38: {  	[tilespmem:s18+$0x810 ss:$0x81] =	vst.msk $0xffff, v3;
	v3 =	vld [tilespmem:s19+$0x20]  }
0x39: {  	s16 =	sshrl.u32 s16, $0x2;
	v0 =	vld [tilespmem:s19+$0xFFFFFFC0];
	[tilespmem:s18+$0x1020 ss:$0x81] =	vst.msk $0xffff, v4;
	s19 =	sadd.s32 $0x80, s19  }
0x3a: {  	s20 =	simm.s32 $0x4;
	s21 =	simm.s32 $0x8;
	s16 =	sor.u32 $0x8000, s16;
	[tilespmem:s18+$0x1830 ss:$0x81] =	vst.msk $0xffff, v5;
	v4 =	vld [tilespmem:s19+$0x30]  }
.LBB1_3:
0x3b: {  	p1 =	sne.s32 s21, $0x1FC;
	v5 =	vld [tilespmem:s19+$0xFFFFFFD0];
	[tilespmem:s18+$0x2040 ss:$0x81] =	vst.msk $0xffff, v1  }
0x3c: {  	v6 =	vld [tilespmem:s19+$0xFFFFFFE0];
	[tilespmem:s18+$0x2850 ss:$0x81] =	vst.msk $0xffff, v2  }
0x3d: {  	s22 =	sshra.s32 s20, $0x2;
	s20 =	smov.u32 s21;
	v7 =	vld [tilespmem:s19+$0xFFFFFFF0];
	[tilespmem:s18+$0x3060 ss:$0x81] =	vst.msk $0xffff, v3  }
.Ltmp3:
0x3e: {  	v1 =	vld [tilespmem:s19+$0x0];
	[tilespmem:s18+$0x0 ss:$0x81] =	vst.msk $0xffff, v0;
	s18 =	sadd.s32 s22, s17;
	(pc) =	sbr.rel @p1 .LBB1_3-.Ltmp3, $4  }
0x3f: {  	v2 =	vld [tilespmem:s19+$0x10];
	[tilespmem:s18+$0x3870 ss:$0x81] =	vst.msk $0xffff, v4  }
0x40: {  	[tilespmem:s18+$0x810 ss:$0x81] =	vst.msk $0xffff, v5;
	v3 =	vld [tilespmem:s19+$0x20]  }
0x41: {  	v0 =	vld [tilespmem:s19+$0xFFFFFFC0];
	[tilespmem:s18+$0x1020 ss:$0x81] =	vst.msk $0xffff, v6;
	s19 =	sadd.s32 $0x80, s19  }
0x42: {  	s21 =	sadd.s32 $0x4, s21;
	v4 =	vld [tilespmem:s19+$0x30];
	[tilespmem:s18+$0x1830 ss:$0x81] =	vst.msk $0xffff, v7  }
.Ltmp4:
0x43: {  	_ = 	snop;
	(pc) =	sbr.rel .LBB1_4-.Ltmp4, $1  }
0x44: {  	_ =	sdelay $0x3  }
.LBB1_6:
0x45: {  	_ =	sfence.sel $0x180000  }
0x46: {  	s1 =	simm.s32 $0x1;
	[bflag:$0x0] =	sbarrier.arrive $0xFFFF  }
0x47: {  	s31 =	simm.s32 $0x2;
	[sflag:s1] =	ssyncpa.u1 $0x1  }
0x48: {  	[sflag:s31] =	ssyncpa.u1 $0x1  }
0x49: {  	p0 =	sne.s32 s3, $0x0;
	_ =	strace $0x9000004D  }
0x4a: {  	s0 =	sadd.s32 @!p0 $0x100000, s0;
	[bflag:$0x2] =	sbarrier.arrive $0xFFFF  }
0x4b: {  	[sflag:s0] =	ssyncadd.tile.s32 @!p0 $0x1;
	_ =	shalt  }
.Lfunc_end1:
_tile_overlayer_lowered:
.L_overlay_start_2:
0x4c: {  	(tag) =	ssettag $0x2  }
0x4d: {  	s0 =	rddreg [dreg:$0x0];
	s2 =	stileid.u32  }
0x4e: {  	s1 =	rddreg [dreg:$0x1];
	p0 =	sne.s32 s2, $0x0  }
0x4f: {  	s3 =	rddreg [dreg:$0x2];
	[bflag:$0x3] =	sbarrier.arrive $0xFFFF;
	s2 =	simm.s32 @!p0 $0x1C01  }
0x50: {  	[timem:s3], [sflag:s2] =	dma.local @!p0 [hbm:s0], s1  }
0x51: {  	s0 =	simm.s32 @!p0 $0x1  }
0x52: {  	_ =	swait.ge @!p0 [sflag:s0], s1  }
0x53: {  	s1 =	ssub.s32 @!p0 $0x0, s1;
	[sflag:s0] =	ssyncset.done @!p0 $0x0  }
0x54: {  	[sflag:s0] =	ssyncadd.s32 @!p0 s1  }
0x55: {  	[bflag:$0x3] =	sbarrier.arrive $0xFFFF  }
0x56: {  	_ =	shalt  }

</sc_bundles>
